<compile_context>
chip_gen: v7x
topology: tpu7x:2x2x1
jax: 0.10.2.dev20260603
libtpu: 0.0.44.dev20260713+nightly
codegen_flags: <defaults>
</compile_context>

<pallas_src>
import functools

import jax
import jax.numpy as jnp
from jax import lax
from jax.experimental import pallas as pl
from jax.experimental.pallas import tpu as pltpu
from jax.experimental.pallas import tpu_sc as plsc

M, D, B, NCLS = 100000, 512, 16384, 1000

NC, NS = 2, 16
NW = NC * NS
SLOTS = 3136
LAST = M - (NW - 1) * SLOTS
assert SLOTS % 32 == 0 and LAST % 32 == 0 and LAST > 0
_mesh = plsc.VectorSubcoreMesh(core_axis_name="c", subcore_axis_name="s")

U_SH, U_MASK = 17, (1 << 17) - 1
W_SH, W_MASK = 14, (1 << 14) - 1


def _i32(v):
    return jnp.asarray(v, jnp.int32)


@functools.partial(
    pl.kernel,
    out_type=[
        jax.ShapeDtypeStruct((B, D), jnp.float32),
        jax.ShapeDtypeStruct((B,), jnp.int32),
        jax.ShapeDtypeStruct((M, D), jnp.float32),
        jax.ShapeDtypeStruct((M,), jnp.int32),
    ],
    mesh=_mesh,
    compiler_params=pltpu.CompilerParams(needs_layout_passes=False),
    scratch_types=[
        pltpu.VMEM((B,), jnp.int32),
        pltpu.VMEM((SLOTS,), jnp.int32),
        pltpu.VMEM((SLOTS + 16,), jnp.int32),
        pltpu.VMEM((SLOTS + 16,), jnp.int32),
        pltpu.VMEM((B + 16,), jnp.int32),
        pltpu.VMEM((B + 16,), jnp.int32),
        pltpu.VMEM((16, D), jnp.float32),
        pltpu.VMEM((16,), jnp.int32),
        pltpu.VMEM((4, 16), jnp.int32),
        pltpu.VMEM((64, D), jnp.float32),
        pltpu.VMEM((SLOTS,), jnp.int32),
        pltpu.SemaphoreType.DMA,
        pltpu.SemaphoreType.DMA,
        pltpu.SemaphoreType.DMA,
        pltpu.SemaphoreType.DMA,
        pltpu.SemaphoreType.DMA,
        pltpu.SemaphoreType.DMA,
        pltpu.SemaphoreType.DMA,
        pltpu.SemaphoreType.DMA,
        pltpu.SemaphoreType.DMA,
        pltpu.SemaphoreType.DMA,
        pltpu.SemaphoreType.DMA,
        pltpu.SemaphoreType.DMA,
    ],
)
def _sc_kernel(mem, mem_label, x, y, idx, retrieve_idx,
               rx, ry, nm, nl,
               idxbuf, poslocal, wslot, wpos, upk, wpk,
               rowbuf, lbuf, idxs, cbuf, lcbuf,
               sem_g, sem_s, sem_lg, sem_ls,
               sem_i0, sem_i1, sem_i2, sem_i3,
               sem_o0, sem_o1, sem_o2, sem_o3):
    cid = lax.axis_index("c")
    sid = lax.axis_index("s")
    wid = sid * NC + cid
    lo = wid * SLOTS
    is_last = wid == NW - 1
    myslots = jnp.where(is_last, _i32(LAST), _i32(SLOTS))
    hi = lo + myslots
    iota = lax.iota(jnp.int32, 16)
    zeros = iota * 0

    def bcast_at(ref, base):
        return plsc.load_gather(ref, [zeros + base])

    pltpu.sync_copy(idx, idxbuf)
    neg1 = jnp.full((16,), -1, jnp.int32)

    def init_body(v, carry):
        poslocal[pl.ds(v * 16, 16)] = neg1
        return carry
    lax.fori_loop(0, SLOTS // 16, init_body, 0, unroll=4)

    def a_body(v, carry):
        idxv = idxbuf[pl.ds(v * 16, 16)]
        posv = v * 16 + iota
        inr = (idxv >= lo) & (idxv < hi)
        tgt = jnp.clip(idxv - lo, 0, SLOTS - 1)
        plsc.store_scatter(poslocal, [tgt], posv, mask=inr)

        def w_cond(it):
            cur = plsc.load_gather(poslocal, [tgt])
            return jnp.any(inr & (cur < posv))

        def w_body(it):
            cur = plsc.load_gather(poslocal, [tgt])
            plsc.store_scatter(poslocal, [tgt], posv, mask=inr & (cur < posv))
            return it + 1
        lax.while_loop(w_cond, w_body, 0)
        return carry
    lax.fori_loop(0, B // 16, a_body, 0)

    pltpu.sync_copy(retrieve_idx, idxbuf)

    def c_scan(v, carry):
        ucnt, vcnt = carry
        rv = idxbuf[pl.ds(v * 16, 16)]
        inr = (rv >= lo) & (rv < hi)
        rloc = jnp.clip(rv - lo, 0, SLOTS - 1)
        pvals = plsc.load_gather(poslocal, [rloc])
        wr = inr & (pvals >= 0)
        un = inr & (pvals < 0)
        j = v * 16 + iota
        plsc.store_compressed(upk.at[pl.ds(ucnt, 16)],
                              (j << U_SH) | rv, mask=un)
        plsc.store_compressed(wpk.at[pl.ds(vcnt, 16)],
                              (j << W_SH) | pvals, mask=wr)
        return (ucnt + jnp.sum(un.astype(jnp.int32)),
                vcnt + jnp.sum(wr.astype(jnp.int32)))
    ucnt, vcnt = lax.fori_loop(0, B // 16, c_scan, (_i32(0), _i32(0)))
    nchu = (ucnt + 15) // 16
    nchw = (vcnt + 15) // 16
    ctot = nchu + nchw

    nch = myslots // 16
    nq = nch // 4

    def in_cp(chunk, q, sem):
        pltpu.async_copy(mem.at[pl.ds(lo + chunk * 16, 16)],
                         cbuf.at[pl.ds(q * 16, 16)], sem)

    def out_cp(chunk, q, sem):
        pltpu.async_copy(cbuf.at[pl.ds(q * 16, 16)],
                         nm.at[pl.ds(lo + chunk * 16, 16)], sem)

    def wait_cp(sem):
        pltpu.make_async_copy(mem.at[pl.ds(0, 16)],
                              cbuf.at[pl.ds(0, 16)], sem).wait()

    def wait_row(sem):
        pltpu.make_async_copy(mem.at[pl.ds(0, 16)], rowbuf, sem).wait()

    def wait_lbl(sem):
        pltpu.make_async_copy(mem_label.at[pl.ds(0, 16)], lbuf, sem).wait()

    in_cp(0, 0, sem_i0)
    in_cp(1, 1, sem_i1)
    in_cp(2, 2, sem_i2)
    total = jnp.maximum(nq, ctot)

    def mega(kk, carry):
        cw = kk < nq
        c = 4 * kk
        uact = kk < nchu
        wact = jnp.logical_and(nchu <= kk, kk < ctot)

        @pl.when(cw)
        def _():
            in_cp(c + 3, 3, sem_i3)

        @pl.when(uact)
        def _():
            base = kk * 16
            e = upk[pl.ds(base, 16)]
            e = jnp.where((base + iota) < ucnt, e, bcast_at(upk, base))
            idxs[0, :] = e & U_MASK
            idxs[2, :] = lax.shift_right_logical(e, U_SH)
            pltpu.async_copy(mem.at[idxs.at[0]], rowbuf, sem_g)
            pltpu.async_copy(mem_label.at[idxs.at[0]], lbuf, sem_lg)

        @pl.when(wact)
        def _():
            base = (kk - nchu) * 16
            e = wpk[pl.ds(base, 16)]
            e = jnp.where((base + iota) < vcnt, e, bcast_at(wpk, base))
            idxs[0, :] = e & W_MASK
            idxs[2, :] = lax.shift_right_logical(e, W_SH)
            pltpu.async_copy(x.at[idxs.at[0]], rowbuf, sem_g)
            pltpu.async_copy(y.at[idxs.at[0]], lbuf, sem_lg)

        @pl.when(cw)
        def _():
            wait_cp(sem_i0)
            out_cp(c, 0, sem_o0)
            wait_cp(sem_i1)
            out_cp(c + 1, 1, sem_o1)
            wait_cp(sem_i2)
            out_cp(c + 2, 2, sem_o2)
            wait_cp(sem_i3)
            out_cp(c + 3, 3, sem_o3)

        @pl.when(kk < ctot)
        def _():
            wait_row(sem_g)
            pltpu.async_copy(rowbuf, rx.at[idxs.at[2]], sem_s)
            wait_lbl(sem_lg)
            pltpu.async_copy(lbuf, ry.at[idxs.at[2]], sem_ls)
            wait_row(sem_s)
            wait_lbl(sem_ls)

        @pl.when(cw)
        def _():
            wait_cp(sem_o0)

            @pl.when(c + 4 < nch)
            def _():
                in_cp(c + 4, 0, sem_i0)
            wait_cp(sem_o1)

            @pl.when(c + 5 < nch)
            def _():
                in_cp(c + 5, 1, sem_i1)
            wait_cp(sem_o2)

            @pl.when(c + 6 < nch)
            def _():
                in_cp(c + 6, 2, sem_i2)
            wait_cp(sem_o3)
        return carry
    lax.fori_loop(0, total, mega, 0)

    @pl.when(is_last)
    def _():
        wait_cp(sem_i0)
        out_cp(LAST // 16 - 2, 0, sem_o0)
        wait_cp(sem_i1)
        out_cp(LAST // 16 - 1, 1, sem_o1)
        wait_cp(sem_o0)
        wait_cp(sem_o1)

    @pl.when(jnp.logical_not(is_last))
    def _():
        pltpu.sync_copy(mem_label.at[pl.ds(lo, SLOTS)], lcbuf)
        pltpu.sync_copy(lcbuf, nl.at[pl.ds(lo, SLOTS)])

    @pl.when(is_last)
    def _():
        pltpu.sync_copy(mem_label.at[pl.ds(lo, LAST)], lcbuf.at[pl.ds(0, LAST)])
        pltpu.sync_copy(lcbuf.at[pl.ds(0, LAST)], nl.at[pl.ds(lo, LAST)])

    def b_scan(v, cnt):
        pv = poslocal[pl.ds(v * 16, 16)]
        mask = pv >= 0
        slot_abs = lo + v * 16 + iota
        plsc.store_compressed(wslot.at[pl.ds(cnt, 16)], slot_abs, mask=mask)
        plsc.store_compressed(wpos.at[pl.ds(cnt, 16)], pv, mask=mask)
        return cnt + jnp.sum(mask.astype(jnp.int32))
    wcnt = lax.fori_loop(0, myslots // 16, b_scan, _i32(0))

    def b_rows(cc, carry):
        base = cc * 16
        tv = wslot[pl.ds(base, 16)]
        pv = wpos[pl.ds(base, 16)]
        valid = (base + iota) < wcnt
        tgt = jnp.where(valid, tv, bcast_at(wslot, base))
        src = jnp.where(valid, pv, bcast_at(wpos, base))
        pltpu.async_copy(x.at[src], rowbuf, sem_g).wait()
        pltpu.async_copy(rowbuf, nm.at[tgt], sem_s).wait()
        pltpu.async_copy(y.at[src], lbuf, sem_g).wait()
        pltpu.async_copy(lbuf, nl.at[tgt], sem_s).wait()
        return carry
    lax.fori_loop(0, (wcnt + 15) // 16, b_rows, 0)


def kernel(mem, mem_label, x, y, idx, retrieve_idx):
    return tuple(_sc_kernel(mem, mem_label, x, y, idx, retrieve_idx))

# --- scband reference (transcript-rebuilt; emitter-appended) ---
"""Pipeline reference for scband-buffer-20890720927867 (READ-ONLY COPY).

The authoritative reference and input builder live on the scoring server;
editing this copy changes nothing except your own understanding.
"""

import jax, jax.numpy as jnp
import numpy as np

M, D, B, NCLS = 100000, 512, 16384, 1000

def setup_inputs(seed: int = 0) -> dict:
    key = jax.random.key(seed)
    k1, k2, k3, k4, k5, k6 = jax.random.split(key, 6)
    mem = jax.random.normal(k1, (M, D), dtype=jnp.float32)
    mem_label = jax.random.randint(k2, (M,), 0, NCLS, dtype=jnp.int32)
    x = jax.random.normal(k3, (B, D), dtype=jnp.float32)
    y = jax.random.randint(k4, (B,), 0, NCLS, dtype=jnp.int32)
    idx = jax.random.randint(k5, (B,), 0, M, dtype=jnp.int32)
    retrieve_idx = jax.random.randint(k6, (B,), 0, M, dtype=jnp.int32)
    return {"mem": mem, "mem_label": mem_label, "x": x, "y": y, "idx": idx, "retrieve_idx": retrieve_idx}

def reference(mem, mem_label, x, y, idx, retrieve_idx):
    # Buffer.update: scatter-overwrite incoming samples (x, y) into buffer slots idx
    # (reservoir-style write into buffer_input / buffer_label registered buffers).
    new_mem = mem.at[idx].set(x)
    new_label = mem_label.at[idx].set(y)
    # Buffer.retrieve: gather a random batch of stored samples from the buffer.
    retrieved_x = jnp.take(new_mem, retrieve_idx, axis=0)
    retrieved_y = jnp.take(new_label, retrieve_idx, axis=0)
    return retrieved_x, retrieved_y, new_mem, new_label

if __name__ == "__main__":
    import jax
    _d = setup_inputs()
    print(jax.jit(kernel)(*tuple(_d.values())))

</pallas_src>

<mosaic_0001>
#map = affine_map<(d0, d1) -> (0, 0)>
#map1 = affine_map<(d0, d1) -> (0)>
module attributes {stable_mosaic.version = 14 : i64} {
  func.func @_sc_kernel(%arg0: i32, %arg1: i32, %arg2: memref<100000x512xf32, #tpu.memory_space<hbm>>, %arg3: memref<100000xi32, #tpu.memory_space<hbm>>, %arg4: memref<16384x512xf32, #tpu.memory_space<hbm>>, %arg5: memref<16384xi32, #tpu.memory_space<hbm>>, %arg6: memref<16384xi32, #tpu.memory_space<hbm>>, %arg7: memref<16384xi32, #tpu.memory_space<hbm>>, %arg8: memref<16384x512xf32, #tpu.memory_space<hbm>>, %arg9: memref<16384xi32, #tpu.memory_space<hbm>>, %arg10: memref<100000x512xf32, #tpu.memory_space<hbm>>, %arg11: memref<100000xi32, #tpu.memory_space<hbm>>, %arg12: memref<16384xi32, #tpu.memory_space<vmem>>, %arg13: memref<3136xi32, #tpu.memory_space<vmem>>, %arg14: memref<3152xi32, #tpu.memory_space<vmem>>, %arg15: memref<3152xi32, #tpu.memory_space<vmem>>, %arg16: memref<16400xi32, #tpu.memory_space<vmem>>, %arg17: memref<16400xi32, #tpu.memory_space<vmem>>, %arg18: memref<16x512xf32, #tpu.memory_space<vmem>>, %arg19: memref<16xi32, #tpu.memory_space<vmem>>, %arg20: memref<4x16xi32, #tpu.memory_space<vmem>>, %arg21: memref<64x512xf32, #tpu.memory_space<vmem>>, %arg22: memref<3136xi32, #tpu.memory_space<vmem>>, %arg23: memref<!tpu.dma_semaphore, #tpu.memory_space<semaphore_mem>>, %arg24: memref<!tpu.dma_semaphore, #tpu.memory_space<semaphore_mem>>, %arg25: memref<!tpu.dma_semaphore, #tpu.memory_space<semaphore_mem>>, %arg26: memref<!tpu.dma_semaphore, #tpu.memory_space<semaphore_mem>>, %arg27: memref<!tpu.dma_semaphore, #tpu.memory_space<semaphore_mem>>, %arg28: memref<!tpu.dma_semaphore, #tpu.memory_space<semaphore_mem>>, %arg29: memref<!tpu.dma_semaphore, #tpu.memory_space<semaphore_mem>>, %arg30: memref<!tpu.dma_semaphore, #tpu.memory_space<semaphore_mem>>, %arg31: memref<!tpu.dma_semaphore, #tpu.memory_space<semaphore_mem>>, %arg32: memref<!tpu.dma_semaphore, #tpu.memory_space<semaphore_mem>>, %arg33: memref<!tpu.dma_semaphore, #tpu.memory_space<semaphore_mem>>, %arg34: memref<!tpu.dma_semaphore, #tpu.memory_space<semaphore_mem>>) attributes {dimension_semantics = [#tpu.dimension_semantics<core_parallel>, #tpu.dimension_semantics<subcore_parallel>], iteration_bounds = array<i64: 2, 16>, scalar_prefetch = 0 : i64, scratch_operands = 23 : i64, tpu.core_type = #tpu.core_type<sc_vector_subcore>, window_params = [{transform_indices = #map}, {transform_indices = #map1}, {transform_indices = #map}, {transform_indices = #map1}, {transform_indices = #map1}, {transform_indices = #map1}, {transform_indices = #map}, {transform_indices = #map1}, {transform_indices = #map}, {transform_indices = #map1}]} {
    %mul3A = arith.constant 2 : i32
    %mul3A_0 = arith.muli %arg1, %mul3A : i32
    %add3A = arith.addi %mul3A_0, %arg0 : i32
    %mul3A_1 = arith.constant 3136 : i32
    %mul3A_2 = arith.muli %add3A, %mul3A_1 : i32
    %eq3A = arith.constant 31 : i32
    %eq3A_3 = arith.cmpi eq, %add3A, %eq3A : i32
    %jit3A = arith.constant 2784 : i32
    %jit3A_4 = arith.constant 3136 : i32
    %select_n3A = arith.select %eq3A_3, %jit3A, %jit3A_4 : i32
    %add3A_5 = arith.addi %mul3A_2, %select_n3A : i32
    %iota3A = tpu.iota {dimensions = array<i32: 0>} : vector<16xi32>
    %mul3A_6 = arith.constant 0 : i32
    %mul3A_7 = vector.broadcast %mul3A_6 : i32 to vector<16xi32>
    %mul3A_8 = arith.muli %iota3A, %mul3A_7 : vector<16xi32>
    "tpu.region"() ({
      %run_scoped3A = tpu.sem_alloc : memref<!tpu.dma_semaphore, #tpu.memory_space<semaphore_mem>>
      tpu.enqueue_dma source(%arg6 : memref<16384xi32, #tpu.memory_space<hbm>>) target(%arg12 : memref<16384xi32, #tpu.memory_space<vmem>>) target_semaphore(%run_scoped3A : memref<!tpu.dma_semaphore, #tpu.memory_space<semaphore_mem>>)
      tpu.wait_dma2 semaphore(%run_scoped3A : memref<!tpu.dma_semaphore, #tpu.memory_space<semaphore_mem>>) src(%arg6 : memref<16384xi32, #tpu.memory_space<hbm>>) dst(%arg12 : memref<16384xi32, #tpu.memory_space<vmem>>)
      tpu.yield
    }) : () -> ()
    %broadcast_in_dim3A = arith.constant -1 : i32
    %broadcast_in_dim3A_9 = vector.broadcast %broadcast_in_dim3A : i32 to vector<16xi32>
    %scan3A = arith.constant 0 : i32
    %scan3A_10 = arith.constant 0 : i32
    %scan3A_11 = arith.constant 196 : i32
    %scan3A_12 = arith.addi %scan3A_10, %scan3A_11 : i32
    %scan3A_13 = arith.constant 4 : i32
    scf.for %scan3A_248 = %scan3A_10 to %scan3A_12 step %scan3A_13  : i32 {
      %mul3A_249 = arith.constant 16 : i32
      %mul3A_250 = arith.muli %scan3A_248, %mul3A_249 : i32
      %swap3A = arith.index_cast %mul3A_250 : i32 to index
      %swap3A_251 = tpu.vector_load %arg13[%swap3A] {strides = array<i32>} : memref<3136xi32, #tpu.memory_space<vmem>>, vector<16xi32>,
      tpu.vector_store %arg13[%swap3A], %broadcast_in_dim3A_9 {strides = array<i32>} : memref<3136xi32, #tpu.memory_space<vmem>>, vector<16xi32>,
      %scan3A_252 = arith.constant 1 : i32
      %scan3A_253 = arith.addi %scan3A_248, %scan3A_252 : i32
      %mul3A_254 = arith.constant 16 : i32
      %mul3A_255 = arith.muli %scan3A_253, %mul3A_254 : i32
      %swap3A_256 = arith.index_cast %mul3A_255 : i32 to index
      %swap3A_257 = tpu.vector_load %arg13[%swap3A_256] {strides = array<i32>} : memref<3136xi32, #tpu.memory_space<vmem>>, vector<16xi32>,
      tpu.vector_store %arg13[%swap3A_256], %broadcast_in_dim3A_9 {strides = array<i32>} : memref<3136xi32, #tpu.memory_space<vmem>>, vector<16xi32>,
      %scan3A_258 = arith.constant 2 : i32
      %scan3A_259 = arith.addi %scan3A_248, %scan3A_258 : i32
      %mul3A_260 = arith.constant 16 : i32
      %mul3A_261 = arith.muli %scan3A_259, %mul3A_260 : i32
      %swap3A_262 = arith.index_cast %mul3A_261 : i32 to index
      %swap3A_263 = tpu.vector_load %arg13[%swap3A_262] {strides = array<i32>} : memref<3136xi32, #tpu.memory_space<vmem>>, vector<16xi32>,
      tpu.vector_store %arg13[%swap3A_262], %broadcast_in_dim3A_9 {strides = array<i32>} : memref<3136xi32, #tpu.memory_space<vmem>>, vector<16xi32>,
      %scan3A_264 = arith.constant 3 : i32
      %scan3A_265 = arith.addi %scan3A_248, %scan3A_264 : i32
      %mul3A_266 = arith.constant 16 : i32
      %mul3A_267 = arith.muli %scan3A_265, %mul3A_266 : i32
      %swap3A_268 = arith.index_cast %mul3A_267 : i32 to index
      %swap3A_269 = tpu.vector_load %arg13[%swap3A_268] {strides = array<i32>} : memref<3136xi32, #tpu.memory_space<vmem>>, vector<16xi32>,
      tpu.vector_store %arg13[%swap3A_268], %broadcast_in_dim3A_9 {strides = array<i32>} : memref<3136xi32, #tpu.memory_space<vmem>>, vector<16xi32>,
    }
    %scan3A_14 = arith.constant 196 : i32
    %scan3A_15 = arith.constant 0 : i32
    %scan3A_16 = arith.constant 0 : i32
    %scan3A_17 = arith.constant 1024 : i32
    %scan3A_18 = arith.addi %scan3A_16, %scan3A_17 : i32
    %scan3A_19 = arith.constant 1 : i32
    scf.for %scan3A_248 = %scan3A_16 to %scan3A_18 step %scan3A_19  : i32 {
      %mul3A_249 = arith.constant 16 : i32
      %mul3A_250 = arith.muli %scan3A_248, %mul3A_249 : i32
      %get3A = arith.index_cast %mul3A_250 : i32 to index
      %get3A_251 = tpu.vector_load %arg12[%get3A] {strides = array<i32>} : memref<16384xi32, #tpu.memory_space<vmem>>, vector<16xi32>,
      %mul3A_252 = arith.constant 16 : i32
      %mul3A_253 = arith.muli %scan3A_248, %mul3A_252 : i32
      %add3A_254 = vector.broadcast %mul3A_253 : i32 to vector<16xi32>
      %add3A_255 = arith.addi %add3A_254, %iota3A : vector<16xi32>
      %ge3A = vector.broadcast %mul3A_2 : i32 to vector<16xi32>
      %ge3A_256 = arith.cmpi sge, %get3A_251, %ge3A : vector<16xi32>
      %lt3A = vector.broadcast %add3A_5 : i32 to vector<16xi32>
      %lt3A_257 = arith.cmpi slt, %get3A_251, %lt3A : vector<16xi32>
      %and3A_258 = arith.andi %ge3A_256, %lt3A_257 : vector<16xi1>
      %sub3A_259 = vector.broadcast %mul3A_2 : i32 to vector<16xi32>
      %sub3A_260 = arith.subi %get3A_251, %sub3A_259 : vector<16xi32>
      %jit3A_261 = arith.constant 0 : i32
      %jit3A_262 = arith.constant 3135 : i32
      %max3A_263 = vector.broadcast %jit3A_261 : i32 to vector<16xi32>
      %max3A_264 = arith.maxsi %max3A_263, %sub3A_260 : vector<16xi32>
      %min3A = vector.broadcast %jit3A_262 : i32 to vector<16xi32>
      %min3A_265 = arith.minsi %min3A, %max3A_264 : vector<16xi32>
      tpu.vector_store_idx %arg13[%min3A_265], %add3A_255 masked %and3A_258 : memref<3136xi32, #tpu.memory_space<vmem>>[vector<16xi32>], vector<16xi32>, vector<16xi1>
      %while3A_266 = arith.constant 0 : i32
      %while3A_267 = scf.while (%while3A_268 = %while3A_266) : (i32) -> i32 {
        %gather3A = tpu.vector_load_idx %arg13[%min3A_265] : memref<3136xi32, #tpu.memory_space<vmem>>[vector<16xi32>], vector<16xi32>,
        %lt3A_269 = arith.cmpi slt, %gather3A, %add3A_255 : vector<16xi32>
        %and3A_270 = arith.andi %and3A_258, %lt3A_269 : vector<16xi1>
        %reduce_or3A = arith.constant 1.000000e+00 : f32
        %reduce_or3A_271 = arith.constant 0.000000e+00 : f32
        %reduce_or3A_272 = vector.broadcast %reduce_or3A : f32 to vector<16xf32>
        %reduce_or3A_273 = vector.broadcast %reduce_or3A_271 : f32 to vector<16xf32>
        %reduce_or3A_274 = arith.select %and3A_270, %reduce_or3A_272, %reduce_or3A_273 : vector<16xi1>, vector<16xf32>
        %reduce_or3A_275 = arith.constant true
        %reduce_or3A_276 = vector.broadcast %reduce_or3A_275 : i1 to vector<16xi1>
        %reduce_or3A_277 = tpu.scan <max>, %reduce_or3A_274 masked %reduce_or3A_276 : vector<16xf32>, vector<16xi1> -> vector<16xf32>
        %reduce_or3A_278 = vector.extract %reduce_or3A_277[15] : f32 from vector<16xf32>
        %reduce_or3A_279 = arith.constant 0.000000e+00 : f32
        %reduce_or3A_280 = arith.cmpf ogt, %reduce_or3A_278, %reduce_or3A_279 : f32
        scf.condition(%reduce_or3A_280) %while3A_268 : i32
      } do {
      ^bb0(%while3A_268: i32):
        %gather3A = tpu.vector_load_idx %arg13[%min3A_265] : memref<3136xi32, #tpu.memory_space<vmem>>[vector<16xi32>], vector<16xi32>,
        %lt3A_269 = arith.cmpi slt, %gather3A, %add3A_255 : vector<16xi32>
        %and3A_270 = arith.andi %and3A_258, %lt3A_269 : vector<16xi1>
        tpu.vector_store_idx %arg13[%min3A_265], %add3A_255 masked %and3A_270 : memref<3136xi32, #tpu.memory_space<vmem>>[vector<16xi32>], vector<16xi32>, vector<16xi1>
        %add3A_271 = arith.constant 1 : i32
        %add3A_272 = arith.addi %while3A_268, %add3A_271 : i32
        scf.yield %add3A_272 : i32
      }
    }
    %scan3A_20 = arith.constant 1024 : i32
    "tpu.region"() ({
      %run_scoped3A = tpu.sem_alloc : memref<!tpu.dma_semaphore, #tpu.memory_space<semaphore_mem>>
      tpu.enqueue_dma source(%arg7 : memref<16384xi32, #tpu.memory_space<hbm>>) target(%arg12 : memref<16384xi32, #tpu.memory_space<vmem>>) target_semaphore(%run_scoped3A : memref<!tpu.dma_semaphore, #tpu.memory_space<semaphore_mem>>)
      tpu.wait_dma2 semaphore(%run_scoped3A : memref<!tpu.dma_semaphore, #tpu.memory_space<semaphore_mem>>) src(%arg7 : memref<16384xi32, #tpu.memory_space<hbm>>) dst(%arg12 : memref<16384xi32, #tpu.memory_space<vmem>>)
      tpu.yield
    }) : () -> ()
    %scan3A_21 = arith.constant 0 : i32
    %scan3A_22 = arith.constant 0 : i32
    %scan3A_23 = arith.constant 0 : i32
    %scan3A_24 = arith.constant 1024 : i32
    %scan3A_25 = arith.addi %scan3A_23, %scan3A_24 : i32
    %scan3A_26 = arith.constant 1 : i32
    %scan3A_27:2 = scf.for %scan3A_248 = %scan3A_23 to %scan3A_25 step %scan3A_26 iter_args(%scan3A_249 = %scan3A_21, %scan3A_250 = %scan3A_22) -> (i32, i32)  : i32 {
      %mul3A_251 = arith.constant 16 : i32
      %mul3A_252 = arith.muli %scan3A_248, %mul3A_251 : i32
      %get3A = arith.index_cast %mul3A_252 : i32 to index
      %get3A_253 = tpu.vector_load %arg12[%get3A] {strides = array<i32>} : memref<16384xi32, #tpu.memory_space<vmem>>, vector<16xi32>,
      %ge3A = vector.broadcast %mul3A_2 : i32 to vector<16xi32>
      %ge3A_254 = arith.cmpi sge, %get3A_253, %ge3A : vector<16xi32>
      %lt3A = vector.broadcast %add3A_5 : i32 to vector<16xi32>
      %lt3A_255 = arith.cmpi slt, %get3A_253, %lt3A : vector<16xi32>
      %and3A_256 = arith.andi %ge3A_254, %lt3A_255 : vector<16xi1>
      %sub3A_257 = vector.broadcast %mul3A_2 : i32 to vector<16xi32>
      %sub3A_258 = arith.subi %get3A_253, %sub3A_257 : vector<16xi32>
      %jit3A_259 = arith.constant 0 : i32
      %jit3A_260 = arith.constant 3135 : i32
      %max3A_261 = vector.broadcast %jit3A_259 : i32 to vector<16xi32>
      %max3A_262 = arith.maxsi %max3A_261, %sub3A_258 : vector<16xi32>
      %min3A = vector.broadcast %jit3A_260 : i32 to vector<16xi32>
      %min3A_263 = arith.minsi %min3A, %max3A_262 : vector<16xi32>
      %gather3A = tpu.vector_load_idx %arg13[%min3A_263] : memref<3136xi32, #tpu.memory_space<vmem>>[vector<16xi32>], vector<16xi32>,
      %ge3A_264 = arith.constant 0 : i32
      %ge3A_265 = vector.broadcast %ge3A_264 : i32 to vector<16xi32>
      %ge3A_266 = arith.cmpi sge, %gather3A, %ge3A_265 : vector<16xi32>
      %and3A_267 = arith.andi %and3A_256, %ge3A_266 : vector<16xi1>
      %lt3A_268 = arith.constant 0 : i32
      %lt3A_269 = vector.broadcast %lt3A_268 : i32 to vector<16xi32>
      %lt3A_270 = arith.cmpi slt, %gather3A, %lt3A_269 : vector<16xi32>
      %and3A_271 = arith.andi %and3A_256, %lt3A_270 : vector<16xi1>
      %mul3A_272 = arith.constant 16 : i32
      %mul3A_273 = arith.muli %scan3A_248, %mul3A_272 : i32
      %add3A_274 = vector.broadcast %mul3A_273 : i32 to vector<16xi32>
      %add3A_275 = arith.addi %add3A_274, %iota3A : vector<16xi32>
      %shift_left3A = arith.constant 17 : i32
      %shift_left3A_276 = vector.broadcast %shift_left3A : i32 to vector<16xi32>
      %shift_left3A_277 = arith.shli %add3A_275, %shift_left3A_276 : vector<16xi32>
      %or3A = arith.ori %shift_left3A_277, %get3A_253 : vector<16xi32>
      %swap3A = arith.index_cast %scan3A_249 : i32 to index
      %swap3A_278 = tpu.vector_load %arg16[%swap3A] masked %and3A_271 {strides = array<i32>} : memref<16400xi32, #tpu.memory_space<vmem>>, vector<16xi32>, vector<16xi1>
      tpu.vector_store %arg16[%swap3A], %or3A masked %and3A_271 {strides = array<i32>} : memref<16400xi32, #tpu.memory_space<vmem>>, vector<16xi32>, vector<16xi1>
      %shift_left3A_279 = arith.constant 14 : i32
      %shift_left3A_280 = vector.broadcast %shift_left3A_279 : i32 to vector<16xi32>
      %shift_left3A_281 = arith.shli %add3A_275, %shift_left3A_280 : vector<16xi32>
      %or3A_282 = arith.ori %shift_left3A_281, %gather3A : vector<16xi32>
      %swap3A_283 = arith.index_cast %scan3A_250 : i32 to index
      %swap3A_284 = tpu.vector_load %arg17[%swap3A_283] masked %and3A_267 {strides = array<i32>} : memref<16400xi32, #tpu.memory_space<vmem>>, vector<16xi32>, vector<16xi1>
      tpu.vector_store %arg17[%swap3A_283], %or3A_282 masked %and3A_267 {strides = array<i32>} : memref<16400xi32, #tpu.memory_space<vmem>>, vector<16xi32>, vector<16xi1>
      %convert_element_type3A_285 = arith.extui %and3A_271 : vector<16xi1> to vector<16xi32>
      %reduce_sum3A = arith.constant true
      %reduce_sum3A_286 = vector.broadcast %reduce_sum3A : i1 to vector<16xi1>
      %reduce_sum3A_287 = tpu.scan <sum>, %convert_element_type3A_285 masked %reduce_sum3A_286 : vector<16xi32>, vector<16xi1> -> vector<16xi32>
      %reduce_sum3A_288 = vector.extract %reduce_sum3A_287[15] : i32 from vector<16xi32>
      %add3A_289 = arith.addi %scan3A_249, %reduce_sum3A_288 : i32
      %convert_element_type3A_290 = arith.extui %and3A_267 : vector<16xi1> to vector<16xi32>
      %reduce_sum3A_291 = arith.constant true
      %reduce_sum3A_292 = vector.broadcast %reduce_sum3A_291 : i1 to vector<16xi1>
      %reduce_sum3A_293 = tpu.scan <sum>, %convert_element_type3A_290 masked %reduce_sum3A_292 : vector<16xi32>, vector<16xi1> -> vector<16xi32>
      %reduce_sum3A_294 = vector.extract %reduce_sum3A_293[15] : i32 from vector<16xi32>
      %add3A_295 = arith.addi %scan3A_250, %reduce_sum3A_294 : i32
      scf.yield %add3A_289, %add3A_295 : i32, i32
    }
    %scan3A_28 = arith.constant 1024 : i32
    %add3A_29 = arith.constant 15 : i32
    %add3A_30 = arith.addi %scan3A_27#0, %add3A_29 : i32
    %jit3A_31 = arith.constant 16 : i32
    %div3A = arith.divsi %add3A_30, %jit3A_31 : i32
    %sign3A = arith.constant 0 : i32
    %sign3A_32 = arith.cmpi sgt, %add3A_30, %sign3A : i32
    %sign3A_33 = arith.extui %sign3A_32 : i1 to i32
    %sign3A_34 = arith.constant 0 : i32
    %sign3A_35 = arith.cmpi slt, %add3A_30, %sign3A_34 : i32
    %sign3A_36 = arith.extui %sign3A_35 : i1 to i32
    %sign3A_37 = arith.subi %sign3A_33, %sign3A_36 : i32
    %sign3A_38 = arith.constant 0 : i32
    %sign3A_39 = arith.cmpi sgt, %jit3A_31, %sign3A_38 : i32
    %sign3A_40 = arith.extui %sign3A_39 : i1 to i32
    %sign3A_41 = arith.constant 0 : i32
    %sign3A_42 = arith.cmpi slt, %jit3A_31, %sign3A_41 : i32
    %sign3A_43 = arith.extui %sign3A_42 : i1 to i32
    %sign3A_44 = arith.subi %sign3A_40, %sign3A_43 : i32
    %ne3A = arith.cmpi ne, %sign3A_37, %sign3A_44 : i32
    %rem3A = arith.remsi %add3A_30, %jit3A_31 : i32
    %ne3A_45 = arith.constant 0 : i32
    %ne3A_46 = arith.cmpi ne, %rem3A, %ne3A_45 : i32
    %and3A = arith.andi %ne3A, %ne3A_46 : i1
    %sub3A = arith.constant 1 : i32
    %sub3A_47 = arith.subi %div3A, %sub3A : i32
    %select_n3A_48 = arith.select %and3A, %sub3A_47, %div3A : i32
    %add3A_49 = arith.constant 15 : i32
    %add3A_50 = arith.addi %scan3A_27#1, %add3A_49 : i32
    %jit3A_51 = arith.constant 16 : i32
    %div3A_52 = arith.divsi %add3A_50, %jit3A_51 : i32
    %sign3A_53 = arith.constant 0 : i32
    %sign3A_54 = arith.cmpi sgt, %add3A_50, %sign3A_53 : i32
    %sign3A_55 = arith.extui %sign3A_54 : i1 to i32
    %sign3A_56 = arith.constant 0 : i32
    %sign3A_57 = arith.cmpi slt, %add3A_50, %sign3A_56 : i32
    %sign3A_58 = arith.extui %sign3A_57 : i1 to i32
    %sign3A_59 = arith.subi %sign3A_55, %sign3A_58 : i32
    %sign3A_60 = arith.constant 0 : i32
    %sign3A_61 = arith.cmpi sgt, %jit3A_51, %sign3A_60 : i32
    %sign3A_62 = arith.extui %sign3A_61 : i1 to i32
    %sign3A_63 = arith.constant 0 : i32
    %sign3A_64 = arith.cmpi slt, %jit3A_51, %sign3A_63 : i32
    %sign3A_65 = arith.extui %sign3A_64 : i1 to i32
    %sign3A_66 = arith.subi %sign3A_62, %sign3A_65 : i32
    %ne3A_67 = arith.cmpi ne, %sign3A_59, %sign3A_66 : i32
    %rem3A_68 = arith.remsi %add3A_50, %jit3A_51 : i32
    %ne3A_69 = arith.constant 0 : i32
    %ne3A_70 = arith.cmpi ne, %rem3A_68, %ne3A_69 : i32
    %and3A_71 = arith.andi %ne3A_67, %ne3A_70 : i1
    %sub3A_72 = arith.constant 1 : i32
    %sub3A_73 = arith.subi %div3A_52, %sub3A_72 : i32
    %select_n3A_74 = arith.select %and3A_71, %sub3A_73, %div3A_52 : i32
    %add3A_75 = arith.addi %select_n3A_48, %select_n3A_74 : i32
    %jit3A_76 = arith.constant 16 : i32
    %div3A_77 = arith.divsi %select_n3A, %jit3A_76 : i32
    %sign3A_78 = arith.constant 0 : i32
    %sign3A_79 = arith.cmpi sgt, %select_n3A, %sign3A_78 : i32
    %sign3A_80 = arith.extui %sign3A_79 : i1 to i32
    %sign3A_81 = arith.constant 0 : i32
    %sign3A_82 = arith.cmpi slt, %select_n3A, %sign3A_81 : i32
    %sign3A_83 = arith.extui %sign3A_82 : i1 to i32
    %sign3A_84 = arith.subi %sign3A_80, %sign3A_83 : i32
    %sign3A_85 = arith.constant 0 : i32
    %sign3A_86 = arith.cmpi sgt, %jit3A_76, %sign3A_85 : i32
    %sign3A_87 = arith.extui %sign3A_86 : i1 to i32
    %sign3A_88 = arith.constant 0 : i32
    %sign3A_89 = arith.cmpi slt, %jit3A_76, %sign3A_88 : i32
    %sign3A_90 = arith.extui %sign3A_89 : i1 to i32
    %sign3A_91 = arith.subi %sign3A_87, %sign3A_90 : i32
    %ne3A_92 = arith.cmpi ne, %sign3A_84, %sign3A_91 : i32
    %rem3A_93 = arith.remsi %select_n3A, %jit3A_76 : i32
    %ne3A_94 = arith.constant 0 : i32
    %ne3A_95 = arith.cmpi ne, %rem3A_93, %ne3A_94 : i32
    %and3A_96 = arith.andi %ne3A_92, %ne3A_95 : i1
    %sub3A_97 = arith.constant 1 : i32
    %sub3A_98 = arith.subi %div3A_77, %sub3A_97 : i32
    %select_n3A_99 = arith.select %and3A_96, %sub3A_98, %div3A_77 : i32
    %jit3A_100 = arith.constant 4 : i32
    %div3A_101 = arith.divsi %select_n3A_99, %jit3A_100 : i32
    %sign3A_102 = arith.constant 0 : i32
    %sign3A_103 = arith.cmpi sgt, %select_n3A_99, %sign3A_102 : i32
    %sign3A_104 = arith.extui %sign3A_103 : i1 to i32
    %sign3A_105 = arith.constant 0 : i32
    %sign3A_106 = arith.cmpi slt, %select_n3A_99, %sign3A_105 : i32
    %sign3A_107 = arith.extui %sign3A_106 : i1 to i32
    %sign3A_108 = arith.subi %sign3A_104, %sign3A_107 : i32
    %sign3A_109 = arith.constant 0 : i32
    %sign3A_110 = arith.cmpi sgt, %jit3A_100, %sign3A_109 : i32
    %sign3A_111 = arith.extui %sign3A_110 : i1 to i32
    %sign3A_112 = arith.constant 0 : i32
    %sign3A_113 = arith.cmpi slt, %jit3A_100, %sign3A_112 : i32
    %sign3A_114 = arith.extui %sign3A_113 : i1 to i32
    %sign3A_115 = arith.subi %sign3A_111, %sign3A_114 : i32
    %ne3A_116 = arith.cmpi ne, %sign3A_108, %sign3A_115 : i32
    %rem3A_117 = arith.remsi %select_n3A_99, %jit3A_100 : i32
    %ne3A_118 = arith.constant 0 : i32
    %ne3A_119 = arith.cmpi ne, %rem3A_117, %ne3A_118 : i32
    %and3A_120 = arith.andi %ne3A_116, %ne3A_119 : i1
    %sub3A_121 = arith.constant 1 : i32
    %sub3A_122 = arith.subi %div3A_101, %sub3A_121 : i32
    %select_n3A_123 = arith.select %and3A_120, %sub3A_122, %div3A_101 : i32
    %add3A_124 = arith.constant 0 : i32
    %add3A_125 = arith.addi %mul3A_2, %add3A_124 : i32
    %dma_start3A = arith.constant 0 : i32
    %dma_start3A_126 = arith.constant 0 : i32
    %dma_start3A_127 = tpu.memref_slice %arg21[%dma_start3A, %dma_start3A_126] : memref<64x512xf32, #tpu.memory_space<vmem>> -> memref<16x512xf32, #tpu.memory_space<vmem>>
    %dma_start3A_128 = arith.constant 0 : i32
    %dma_start3A_129 = tpu.memref_slice %arg2[%add3A_125, %dma_start3A_128] : memref<100000x512xf32, #tpu.memory_space<hbm>> -> memref<16x512xf32, #tpu.memory_space<hbm>>
    %dma_start3A_130 = arith.constant 0 : i32
    %dma_start3A_131 = arith.constant 0 : i32
    %dma_start3A_132 = tpu.memref_slice %arg21[%dma_start3A_130, %dma_start3A_131] : memref<64x512xf32, #tpu.memory_space<vmem>> -> memref<16x512xf32, #tpu.memory_space<vmem>>
    %dma_start3A_133 = arith.constant 0 : i32
    %dma_start3A_134 = tpu.memref_slice %arg2[%add3A_125, %dma_start3A_133] : memref<100000x512xf32, #tpu.memory_space<hbm>> -> memref<16x512xf32, #tpu.memory_space<hbm>>
    tpu.enqueue_dma source(%dma_start3A_134 : memref<16x512xf32, #tpu.memory_space<hbm>>) target(%dma_start3A_132 : memref<16x512xf32, #tpu.memory_space<vmem>>) target_semaphore(%arg27 : memref<!tpu.dma_semaphore, #tpu.memory_space<semaphore_mem>>)
    %add3A_135 = arith.constant 16 : i32
    %add3A_136 = arith.addi %mul3A_2, %add3A_135 : i32
    %dma_start3A_137 = arith.constant 16 : i32
    %dma_start3A_138 = arith.constant 0 : i32
    %dma_start3A_139 = tpu.memref_slice %arg21[%dma_start3A_137, %dma_start3A_138] : memref<64x512xf32, #tpu.memory_space<vmem>> -> memref<16x512xf32, #tpu.memory_space<vmem>>
    %dma_start3A_140 = arith.constant 0 : i32
    %dma_start3A_141 = tpu.memref_slice %arg2[%add3A_136, %dma_start3A_140] : memref<100000x512xf32, #tpu.memory_space<hbm>> -> memref<16x512xf32, #tpu.memory_space<hbm>>
    %dma_start3A_142 = arith.constant 16 : i32
    %dma_start3A_143 = arith.constant 0 : i32
    %dma_start3A_144 = tpu.memref_slice %arg21[%dma_start3A_142, %dma_start3A_143] : memref<64x512xf32, #tpu.memory_space<vmem>> -> memref<16x512xf32, #tpu.memory_space<vmem>>
    %dma_start3A_145 = arith.constant 0 : i32
    %dma_start3A_146 = tpu.memref_slice %arg2[%add3A_136, %dma_start3A_145] : memref<100000x512xf32, #tpu.memory_space<hbm>> -> memref<16x512xf32, #tpu.memory_space<hbm>>
    tpu.enqueue_dma source(%dma_start3A_146 : memref<16x512xf32, #tpu.memory_space<hbm>>) target(%dma_start3A_144 : memref<16x512xf32, #tpu.memory_space<vmem>>) target_semaphore(%arg28 : memref<!tpu.dma_semaphore, #tpu.memory_space<semaphore_mem>>)
    %add3A_147 = arith.constant 32 : i32
    %add3A_148 = arith.addi %mul3A_2, %add3A_147 : i32
    %dma_start3A_149 = arith.constant 32 : i32
    %dma_start3A_150 = arith.constant 0 : i32
    %dma_start3A_151 = tpu.memref_slice %arg21[%dma_start3A_149, %dma_start3A_150] : memref<64x512xf32, #tpu.memory_space<vmem>> -> memref<16x512xf32, #tpu.memory_space<vmem>>
    %dma_start3A_152 = arith.constant 0 : i32
    %dma_start3A_153 = tpu.memref_slice %arg2[%add3A_148, %dma_start3A_152] : memref<100000x512xf32, #tpu.memory_space<hbm>> -> memref<16x512xf32, #tpu.memory_space<hbm>>
    %dma_start3A_154 = arith.constant 32 : i32
    %dma_start3A_155 = arith.constant 0 : i32
    %dma_start3A_156 = tpu.memref_slice %arg21[%dma_start3A_154, %dma_start3A_155] : memref<64x512xf32, #tpu.memory_space<vmem>> -> memref<16x512xf32, #tpu.memory_space<vmem>>
    %dma_start3A_157 = arith.constant 0 : i32
    %dma_start3A_158 = tpu.memref_slice %arg2[%add3A_148, %dma_start3A_157] : memref<100000x512xf32, #tpu.memory_space<hbm>> -> memref<16x512xf32, #tpu.memory_space<hbm>>
    tpu.enqueue_dma source(%dma_start3A_158 : memref<16x512xf32, #tpu.memory_space<hbm>>) target(%dma_start3A_156 : memref<16x512xf32, #tpu.memory_space<vmem>>) target_semaphore(%arg29 : memref<!tpu.dma_semaphore, #tpu.memory_space<semaphore_mem>>)
    %max3A = arith.maxsi %select_n3A_123, %add3A_75 : i32
    %while3A = arith.constant 0 : i32
    %while3A_159 = arith.constant 0 : i32
    %while3A_160 = arith.subi %max3A, %while3A_159 : i32
    %while3A_161 = arith.addi %while3A_159, %while3A_160 : i32
    %while3A_162 = arith.constant 1 : i32
    %while3A_163 = arith.divsi %while3A_160, %while3A_162 : i32
    %while3A_164 = arith.muli %while3A_163, %while3A_162 : i32
    %while3A_165 = arith.addi %while3A_159, %while3A_164 : i32
    %while3A_166 = arith.constant 1 : i32
    scf.for %while3A_248 = %while3A_159 to %while3A_165 step %while3A_166  : i32 {
      %lt3A = arith.cmpi slt, %while3A_248, %select_n3A_123 : i32
      %mul3A_249 = arith.constant 4 : i32
      %mul3A_250 = arith.muli %mul3A_249, %while3A_248 : i32
      %lt3A_251 = arith.cmpi slt, %while3A_248, %select_n3A_48 : i32
      %le3A = arith.cmpi sle, %select_n3A_48, %while3A_248 : i32
      %lt3A_252 = arith.cmpi slt, %while3A_248, %add3A_75 : i32
      %and3A_253 = arith.andi %le3A, %lt3A_252 : i1
      %convert_element_type3A_254 = arith.extui %lt3A : i1 to i32
      %cond3A_255 = arith.constant 0 : i32
      %cond3A_256 = arith.cmpi ne, %convert_element_type3A_254, %cond3A_255 : i32
      scf.if %cond3A_256 {
        %add3A_273 = arith.constant 3 : i32
        %add3A_274 = arith.addi %mul3A_250, %add3A_273 : i32
        %mul3A_275 = arith.constant 16 : i32
        %mul3A_276 = arith.muli %add3A_274, %mul3A_275 : i32
        %add3A_277 = arith.addi %mul3A_2, %mul3A_276 : i32
        %dma_start3A_278 = arith.constant 48 : i32
        %dma_start3A_279 = arith.constant 0 : i32
        %dma_start3A_280 = tpu.memref_slice %arg21[%dma_start3A_278, %dma_start3A_279] : memref<64x512xf32, #tpu.memory_space<vmem>> -> memref<16x512xf32, #tpu.memory_space<vmem>>
        %dma_start3A_281 = arith.constant 0 : i32
        %dma_start3A_282 = tpu.memref_slice %arg2[%add3A_277, %dma_start3A_281] : memref<100000x512xf32, #tpu.memory_space<hbm>> -> memref<16x512xf32, #tpu.memory_space<hbm>>
        %dma_start3A_283 = arith.constant 48 : i32
        %dma_start3A_284 = arith.constant 0 : i32
        %dma_start3A_285 = tpu.memref_slice %arg21[%dma_start3A_283, %dma_start3A_284] : memref<64x512xf32, #tpu.memory_space<vmem>> -> memref<16x512xf32, #tpu.memory_space<vmem>>
        %dma_start3A_286 = arith.constant 0 : i32
        %dma_start3A_287 = tpu.memref_slice %arg2[%add3A_277, %dma_start3A_286] : memref<100000x512xf32, #tpu.memory_space<hbm>> -> memref<16x512xf32, #tpu.memory_space<hbm>>
        tpu.enqueue_dma source(%dma_start3A_287 : memref<16x512xf32, #tpu.memory_space<hbm>>) target(%dma_start3A_285 : memref<16x512xf32, #tpu.memory_space<vmem>>) target_semaphore(%arg30 : memref<!tpu.dma_semaphore, #tpu.memory_space<semaphore_mem>>)
      } else {
      }
      %convert_element_type3A_257 = arith.extui %lt3A_251 : i1 to i32
      %cond3A_258 = arith.constant 0 : i32
      %cond3A_259 = arith.cmpi ne, %convert_element_type3A_257, %cond3A_258 : i32
      scf.if %cond3A_259 {
        %mul3A_273 = arith.constant 16 : i32
        %mul3A_274 = arith.muli %while3A_248, %mul3A_273 : i32
        %get3A = arith.index_cast %mul3A_274 : i32 to index
        %get3A_275 = tpu.vector_load %arg16[%get3A] {strides = array<i32>} : memref<16400xi32, #tpu.memory_space<vmem>>, vector<16xi32>,
        %add3A_276 = vector.broadcast %mul3A_274 : i32 to vector<16xi32>
        %add3A_277 = arith.addi %add3A_276, %iota3A : vector<16xi32>
        %lt3A_278 = vector.broadcast %scan3A_27#0 : i32 to vector<16xi32>
        %lt3A_279 = arith.cmpi slt, %add3A_277, %lt3A_278 : vector<16xi32>
        %add3A_280 = vector.broadcast %mul3A_274 : i32 to vector<16xi32>
        %add3A_281 = arith.addi %mul3A_8, %add3A_280 : vector<16xi32>
        %gather3A = tpu.vector_load_idx %arg16[%add3A_281] : memref<16400xi32, #tpu.memory_space<vmem>>[vector<16xi32>], vector<16xi32>,
        %select_n3A_282 = arith.select %lt3A_279, %get3A_275, %gather3A : vector<16xi1>, vector<16xi32>
        %and3A_283 = arith.constant 131071 : i32
        %and3A_284 = vector.broadcast %and3A_283 : i32 to vector<16xi32>
        %and3A_285 = arith.andi %select_n3A_282, %and3A_284 : vector<16xi32>
        %swap3A = arith.constant 0 : i32
        %swap3A_286 = arith.index_cast %swap3A : i32 to index
        %swap3A_287 = arith.constant 0 : index
        %swap3A_288 = tpu.vector_load %arg20[%swap3A_286, %swap3A_287] {strides = array<i32>} : memref<4x16xi32, #tpu.memory_space<vmem>>, vector<16xi32>,
        tpu.vector_store %arg20[%swap3A_286, %swap3A_287], %and3A_285 {strides = array<i32>} : memref<4x16xi32, #tpu.memory_space<vmem>>, vector<16xi32>,
        %shift_right_logical3A = arith.constant 17 : i32
        %shift_right_logical3A_289 = vector.broadcast %shift_right_logical3A : i32 to vector<16xi32>
        %shift_right_logical3A_290 = arith.shrui %select_n3A_282, %shift_right_logical3A_289 : vector<16xi32>
        %swap3A_291 = arith.constant 2 : i32
        %swap3A_292 = arith.index_cast %swap3A_291 : i32 to index
        %swap3A_293 = arith.constant 0 : index
        %swap3A_294 = tpu.vector_load %arg20[%swap3A_292, %swap3A_293] {strides = array<i32>} : memref<4x16xi32, #tpu.memory_space<vmem>>, vector<16xi32>,
        tpu.vector_store %arg20[%swap3A_292, %swap3A_293], %shift_right_logical3A_290 {strides = array<i32>} : memref<4x16xi32, #tpu.memory_space<vmem>>, vector<16xi32>,
        %dma_start3A_295 = arith.constant 0 : i32
        %dma_start3A_296 = arith.constant 0 : i32
        %dma_start3A_297 = tpu.memref_slice %arg20[%dma_start3A_295, %dma_start3A_296] : memref<4x16xi32, #tpu.memory_space<vmem>> -> memref<1x16xi32, #tpu.memory_space<vmem>>
        %dma_start3A_298 = tpu.memref_squeeze %dma_start3A_297 : memref<1x16xi32, #tpu.memory_space<vmem>> -> memref<16xi32, #tpu.memory_space<vmem>>
        %dma_start3A_299 = arith.constant 0 : i32
        %dma_start3A_300 = arith.constant 0 : i32
        %dma_start3A_301 = tpu.memref_slice %arg2[%dma_start3A_299, %dma_start3A_300] : memref<100000x512xf32, #tpu.memory_space<hbm>> -> memref<100000x512xf32, #tpu.memory_space<hbm>>
        tpu.enqueue_indirect_dma source(%dma_start3A_301 : memref<100000x512xf32, #tpu.memory_space<hbm>>) target(%arg18 : memref<16x512xf32, #tpu.memory_space<vmem>>) offsets(%dma_start3A_298 : memref<16xi32, #tpu.memory_space<vmem>>) semaphore(%arg23 : memref<!tpu.dma_semaphore, #tpu.memory_space<semaphore_mem>>)
        %dma_start3A_302 = arith.constant 0 : i32
        %dma_start3A_303 = arith.constant 0 : i32
        %dma_start3A_304 = tpu.memref_slice %arg20[%dma_start3A_302, %dma_start3A_303] : memref<4x16xi32, #tpu.memory_space<vmem>> -> memref<1x16xi32, #tpu.memory_space<vmem>>
        %dma_start3A_305 = tpu.memref_squeeze %dma_start3A_304 : memref<1x16xi32, #tpu.memory_space<vmem>> -> memref<16xi32, #tpu.memory_space<vmem>>
        %dma_start3A_306 = arith.constant 0 : i32
        %dma_start3A_307 = tpu.memref_slice %arg3[%dma_start3A_306] : memref<100000xi32, #tpu.memory_space<hbm>> -> memref<100000xi32, #tpu.memory_space<hbm>>
        tpu.enqueue_indirect_dma source(%dma_start3A_307 : memref<100000xi32, #tpu.memory_space<hbm>>) target(%arg19 : memref<16xi32, #tpu.memory_space<vmem>>) offsets(%dma_start3A_305 : memref<16xi32, #tpu.memory_space<vmem>>) semaphore(%arg25 : memref<!tpu.dma_semaphore, #tpu.memory_space<semaphore_mem>>)
      } else {
      }
      %convert_element_type3A_260 = arith.extui %and3A_253 : i1 to i32
      %cond3A_261 = arith.constant 0 : i32
      %cond3A_262 = arith.cmpi ne, %convert_element_type3A_260, %cond3A_261 : i32
      scf.if %cond3A_262 {
        %sub3A_273 = arith.subi %while3A_248, %select_n3A_48 : i32
        %mul3A_274 = arith.constant 16 : i32
        %mul3A_275 = arith.muli %sub3A_273, %mul3A_274 : i32
        %get3A = arith.index_cast %mul3A_275 : i32 to index
        %get3A_276 = tpu.vector_load %arg17[%get3A] {strides = array<i32>} : memref<16400xi32, #tpu.memory_space<vmem>>, vector<16xi32>,
        %add3A_277 = vector.broadcast %mul3A_275 : i32 to vector<16xi32>
        %add3A_278 = arith.addi %add3A_277, %iota3A : vector<16xi32>
        %lt3A_279 = vector.broadcast %scan3A_27#1 : i32 to vector<16xi32>
        %lt3A_280 = arith.cmpi slt, %add3A_278, %lt3A_279 : vector<16xi32>
        %add3A_281 = vector.broadcast %mul3A_275 : i32 to vector<16xi32>
        %add3A_282 = arith.addi %mul3A_8, %add3A_281 : vector<16xi32>
        %gather3A = tpu.vector_load_idx %arg17[%add3A_282] : memref<16400xi32, #tpu.memory_space<vmem>>[vector<16xi32>], vector<16xi32>,
        %select_n3A_283 = arith.select %lt3A_280, %get3A_276, %gather3A : vector<16xi1>, vector<16xi32>
        %and3A_284 = arith.constant 16383 : i32
        %and3A_285 = vector.broadcast %and3A_284 : i32 to vector<16xi32>
        %and3A_286 = arith.andi %select_n3A_283, %and3A_285 : vector<16xi32>
        %swap3A = arith.constant 0 : i32
        %swap3A_287 = arith.index_cast %swap3A : i32 to index
        %swap3A_288 = arith.constant 0 : index
        %swap3A_289 = tpu.vector_load %arg20[%swap3A_287, %swap3A_288] {strides = array<i32>} : memref<4x16xi32, #tpu.memory_space<vmem>>, vector<16xi32>,
        tpu.vector_store %arg20[%swap3A_287, %swap3A_288], %and3A_286 {strides = array<i32>} : memref<4x16xi32, #tpu.memory_space<vmem>>, vector<16xi32>,
        %shift_right_logical3A = arith.constant 14 : i32
        %shift_right_logical3A_290 = vector.broadcast %shift_right_logical3A : i32 to vector<16xi32>
        %shift_right_logical3A_291 = arith.shrui %select_n3A_283, %shift_right_logical3A_290 : vector<16xi32>
        %swap3A_292 = arith.constant 2 : i32
        %swap3A_293 = arith.index_cast %swap3A_292 : i32 to index
        %swap3A_294 = arith.constant 0 : index
        %swap3A_295 = tpu.vector_load %arg20[%swap3A_293, %swap3A_294] {strides = array<i32>} : memref<4x16xi32, #tpu.memory_space<vmem>>, vector<16xi32>,
        tpu.vector_store %arg20[%swap3A_293, %swap3A_294], %shift_right_logical3A_291 {strides = array<i32>} : memref<4x16xi32, #tpu.memory_space<vmem>>, vector<16xi32>,
        %dma_start3A_296 = arith.constant 0 : i32
        %dma_start3A_297 = arith.constant 0 : i32
        %dma_start3A_298 = tpu.memref_slice %arg20[%dma_start3A_296, %dma_start3A_297] : memref<4x16xi32, #tpu.memory_space<vmem>> -> memref<1x16xi32, #tpu.memory_space<vmem>>
        %dma_start3A_299 = tpu.memref_squeeze %dma_start3A_298 : memref<1x16xi32, #tpu.memory_space<vmem>> -> memref<16xi32, #tpu.memory_space<vmem>>
        %dma_start3A_300 = arith.constant 0 : i32
        %dma_start3A_301 = arith.constant 0 : i32
        %dma_start3A_302 = tpu.memref_slice %arg4[%dma_start3A_300, %dma_start3A_301] : memref<16384x512xf32, #tpu.memory_space<hbm>> -> memref<16384x512xf32, #tpu.memory_space<hbm>>
        tpu.enqueue_indirect_dma source(%dma_start3A_302 : memref<16384x512xf32, #tpu.memory_space<hbm>>) target(%arg18 : memref<16x512xf32, #tpu.memory_space<vmem>>) offsets(%dma_start3A_299 : memref<16xi32, #tpu.memory_space<vmem>>) semaphore(%arg23 : memref<!tpu.dma_semaphore, #tpu.memory_space<semaphore_mem>>)
        %dma_start3A_303 = arith.constant 0 : i32
        %dma_start3A_304 = arith.constant 0 : i32
        %dma_start3A_305 = tpu.memref_slice %arg20[%dma_start3A_303, %dma_start3A_304] : memref<4x16xi32, #tpu.memory_space<vmem>> -> memref<1x16xi32, #tpu.memory_space<vmem>>
        %dma_start3A_306 = tpu.memref_squeeze %dma_start3A_305 : memref<1x16xi32, #tpu.memory_space<vmem>> -> memref<16xi32, #tpu.memory_space<vmem>>
        %dma_start3A_307 = arith.constant 0 : i32
        %dma_start3A_308 = tpu.memref_slice %arg5[%dma_start3A_307] : memref<16384xi32, #tpu.memory_space<hbm>> -> memref<16384xi32, #tpu.memory_space<hbm>>
        tpu.enqueue_indirect_dma source(%dma_start3A_308 : memref<16384xi32, #tpu.memory_space<hbm>>) target(%arg19 : memref<16xi32, #tpu.memory_space<vmem>>) offsets(%dma_start3A_306 : memref<16xi32, #tpu.memory_space<vmem>>) semaphore(%arg25 : memref<!tpu.dma_semaphore, #tpu.memory_space<semaphore_mem>>)
      } else {
      }
      %convert_element_type3A_263 = arith.extui %lt3A : i1 to i32
      %cond3A_264 = arith.constant 0 : i32
      %cond3A_265 = arith.cmpi ne, %convert_element_type3A_263, %cond3A_264 : i32
      scf.if %cond3A_265 {
        %dma_wait3A = arith.constant 0 : i32
        %dma_wait3A_273 = arith.constant 0 : i32
        %dma_wait3A_274 = tpu.memref_slice %arg21[%dma_wait3A, %dma_wait3A_273] : memref<64x512xf32, #tpu.memory_space<vmem>> -> memref<16x512xf32, #tpu.memory_space<vmem>>
        %dma_wait3A_275 = arith.constant 0 : i32
        %dma_wait3A_276 = arith.constant 0 : i32
        %dma_wait3A_277 = tpu.memref_slice %arg2[%dma_wait3A_275, %dma_wait3A_276] : memref<100000x512xf32, #tpu.memory_space<hbm>> -> memref<16x512xf32, #tpu.memory_space<hbm>>
        %dma_wait3A_278 = arith.constant 0 : i32
        %dma_wait3A_279 = arith.constant 0 : i32
        %dma_wait3A_280 = tpu.memref_slice %arg21[%dma_wait3A_278, %dma_wait3A_279] : memref<64x512xf32, #tpu.memory_space<vmem>> -> memref<16x512xf32, #tpu.memory_space<vmem>>
        %dma_wait3A_281 = arith.constant 0 : i32
        %dma_wait3A_282 = arith.constant 0 : i32
        %dma_wait3A_283 = tpu.memref_slice %arg2[%dma_wait3A_281, %dma_wait3A_282] : memref<100000x512xf32, #tpu.memory_space<hbm>> -> memref<16x512xf32, #tpu.memory_space<hbm>>
        tpu.wait_dma2 semaphore(%arg27 : memref<!tpu.dma_semaphore, #tpu.memory_space<semaphore_mem>>) src(%dma_wait3A_283 : memref<16x512xf32, #tpu.memory_space<hbm>>) dst(%dma_wait3A_280 : memref<16x512xf32, #tpu.memory_space<vmem>>)
        %mul3A_284 = arith.constant 16 : i32
        %mul3A_285 = arith.muli %mul3A_250, %mul3A_284 : i32
        %add3A_286 = arith.addi %mul3A_2, %mul3A_285 : i32
        %dma_start3A_287 = arith.constant 0 : i32
        %dma_start3A_288 = arith.constant 0 : i32
        %dma_start3A_289 = tpu.memref_slice %arg21[%dma_start3A_287, %dma_start3A_288] : memref<64x512xf32, #tpu.memory_space<vmem>> -> memref<16x512xf32, #tpu.memory_space<vmem>>
        %dma_start3A_290 = arith.constant 0 : i32
        %dma_start3A_291 = tpu.memref_slice %arg10[%add3A_286, %dma_start3A_290] : memref<100000x512xf32, #tpu.memory_space<hbm>> -> memref<16x512xf32, #tpu.memory_space<hbm>>
        %dma_start3A_292 = arith.constant 0 : i32
        %dma_start3A_293 = tpu.memref_slice %arg10[%add3A_286, %dma_start3A_292] : memref<100000x512xf32, #tpu.memory_space<hbm>> -> memref<16x512xf32, #tpu.memory_space<hbm>>
        %dma_start3A_294 = arith.constant 0 : i32
        %dma_start3A_295 = arith.constant 0 : i32
        %dma_start3A_296 = tpu.memref_slice %arg21[%dma_start3A_294, %dma_start3A_295] : memref<64x512xf32, #tpu.memory_space<vmem>> -> memref<16x512xf32, #tpu.memory_space<vmem>>
        tpu.enqueue_dma source(%dma_start3A_296 : memref<16x512xf32, #tpu.memory_space<vmem>>) target(%dma_start3A_293 : memref<16x512xf32, #tpu.memory_space<hbm>>) target_semaphore(%arg31 : memref<!tpu.dma_semaphore, #tpu.memory_space<semaphore_mem>>)
        %dma_wait3A_297 = arith.constant 0 : i32
        %dma_wait3A_298 = arith.constant 0 : i32
        %dma_wait3A_299 = tpu.memref_slice %arg21[%dma_wait3A_297, %dma_wait3A_298] : memref<64x512xf32, #tpu.memory_space<vmem>> -> memref<16x512xf32, #tpu.memory_space<vmem>>
        %dma_wait3A_300 = arith.constant 0 : i32
        %dma_wait3A_301 = arith.constant 0 : i32
        %dma_wait3A_302 = tpu.memref_slice %arg2[%dma_wait3A_300, %dma_wait3A_301] : memref<100000x512xf32, #tpu.memory_space<hbm>> -> memref<16x512xf32, #tpu.memory_space<hbm>>
        %dma_wait3A_303 = arith.constant 0 : i32
        %dma_wait3A_304 = arith.constant 0 : i32
        %dma_wait3A_305 = tpu.memref_slice %arg21[%dma_wait3A_303, %dma_wait3A_304] : memref<64x512xf32, #tpu.memory_space<vmem>> -> memref<16x512xf32, #tpu.memory_space<vmem>>
        %dma_wait3A_306 = arith.constant 0 : i32
        %dma_wait3A_307 = arith.constant 0 : i32
        %dma_wait3A_308 = tpu.memref_slice %arg2[%dma_wait3A_306, %dma_wait3A_307] : memref<100000x512xf32, #tpu.memory_space<hbm>> -> memref<16x512xf32, #tpu.memory_space<hbm>>
        tpu.wait_dma2 semaphore(%arg28 : memref<!tpu.dma_semaphore, #tpu.memory_space<semaphore_mem>>) src(%dma_wait3A_308 : memref<16x512xf32, #tpu.memory_space<hbm>>) dst(%dma_wait3A_305 : memref<16x512xf32, #tpu.memory_space<vmem>>)
        %add3A_309 = arith.constant 1 : i32
        %add3A_310 = arith.addi %mul3A_250, %add3A_309 : i32
        %mul3A_311 = arith.constant 16 : i32
        %mul3A_312 = arith.muli %add3A_310, %mul3A_311 : i32
        %add3A_313 = arith.addi %mul3A_2, %mul3A_312 : i32
        %dma_start3A_314 = arith.constant 16 : i32
        %dma_start3A_315 = arith.constant 0 : i32
        %dma_start3A_316 = tpu.memref_slice %arg21[%dma_start3A_314, %dma_start3A_315] : memref<64x512xf32, #tpu.memory_space<vmem>> -> memref<16x512xf32, #tpu.memory_space<vmem>>
        %dma_start3A_317 = arith.constant 0 : i32
        %dma_start3A_318 = tpu.memref_slice %arg10[%add3A_313, %dma_start3A_317] : memref<100000x512xf32, #tpu.memory_space<hbm>> -> memref<16x512xf32, #tpu.memory_space<hbm>>
        %dma_start3A_319 = arith.constant 0 : i32
        %dma_start3A_320 = tpu.memref_slice %arg10[%add3A_313, %dma_start3A_319] : memref<100000x512xf32, #tpu.memory_space<hbm>> -> memref<16x512xf32, #tpu.memory_space<hbm>>
        %dma_start3A_321 = arith.constant 16 : i32
        %dma_start3A_322 = arith.constant 0 : i32
        %dma_start3A_323 = tpu.memref_slice %arg21[%dma_start3A_321, %dma_start3A_322] : memref<64x512xf32, #tpu.memory_space<vmem>> -> memref<16x512xf32, #tpu.memory_space<vmem>>
        tpu.enqueue_dma source(%dma_start3A_323 : memref<16x512xf32, #tpu.memory_space<vmem>>) target(%dma_start3A_320 : memref<16x512xf32, #tpu.memory_space<hbm>>) target_semaphore(%arg32 : memref<!tpu.dma_semaphore, #tpu.memory_space<semaphore_mem>>)
        %dma_wait3A_324 = arith.constant 0 : i32
        %dma_wait3A_325 = arith.constant 0 : i32
        %dma_wait3A_326 = tpu.memref_slice %arg21[%dma_wait3A_324, %dma_wait3A_325] : memref<64x512xf32, #tpu.memory_space<vmem>> -> memref<16x512xf32, #tpu.memory_space<vmem>>
        %dma_wait3A_327 = arith.constant 0 : i32
        %dma_wait3A_328 = arith.constant 0 : i32
        %dma_wait3A_329 = tpu.memref_slice %arg2[%dma_wait3A_327, %dma_wait3A_328] : memref<100000x512xf32, #tpu.memory_space<hbm>> -> memref<16x512xf32, #tpu.memory_space<hbm>>
        %dma_wait3A_330 = arith.constant 0 : i32
        %dma_wait3A_331 = arith.constant 0 : i32
        %dma_wait3A_332 = tpu.memref_slice %arg21[%dma_wait3A_330, %dma_wait3A_331] : memref<64x512xf32, #tpu.memory_space<vmem>> -> memref<16x512xf32, #tpu.memory_space<vmem>>
        %dma_wait3A_333 = arith.constant 0 : i32
        %dma_wait3A_334 = arith.constant 0 : i32
        %dma_wait3A_335 = tpu.memref_slice %arg2[%dma_wait3A_333, %dma_wait3A_334] : memref<100000x512xf32, #tpu.memory_space<hbm>> -> memref<16x512xf32, #tpu.memory_space<hbm>>
        tpu.wait_dma2 semaphore(%arg29 : memref<!tpu.dma_semaphore, #tpu.memory_space<semaphore_mem>>) src(%dma_wait3A_335 : memref<16x512xf32, #tpu.memory_space<hbm>>) dst(%dma_wait3A_332 : memref<16x512xf32, #tpu.memory_space<vmem>>)
        %add3A_336 = arith.constant 2 : i32
        %add3A_337 = arith.addi %mul3A_250, %add3A_336 : i32
        %mul3A_338 = arith.constant 16 : i32
        %mul3A_339 = arith.muli %add3A_337, %mul3A_338 : i32
        %add3A_340 = arith.addi %mul3A_2, %mul3A_339 : i32
        %dma_start3A_341 = arith.constant 32 : i32
        %dma_start3A_342 = arith.constant 0 : i32
        %dma_start3A_343 = tpu.memref_slice %arg21[%dma_start3A_341, %dma_start3A_342] : memref<64x512xf32, #tpu.memory_space<vmem>> -> memref<16x512xf32, #tpu.memory_space<vmem>>
        %dma_start3A_344 = arith.constant 0 : i32
        %dma_start3A_345 = tpu.memref_slice %arg10[%add3A_340, %dma_start3A_344] : memref<100000x512xf32, #tpu.memory_space<hbm>> -> memref<16x512xf32, #tpu.memory_space<hbm>>
        %dma_start3A_346 = arith.constant 0 : i32
        %dma_start3A_347 = tpu.memref_slice %arg10[%add3A_340, %dma_start3A_346] : memref<100000x512xf32, #tpu.memory_space<hbm>> -> memref<16x512xf32, #tpu.memory_space<hbm>>
        %dma_start3A_348 = arith.constant 32 : i32
        %dma_start3A_349 = arith.constant 0 : i32
        %dma_start3A_350 = tpu.memref_slice %arg21[%dma_start3A_348, %dma_start3A_349] : memref<64x512xf32, #tpu.memory_space<vmem>> -> memref<16x512xf32, #tpu.memory_space<vmem>>
        tpu.enqueue_dma source(%dma_start3A_350 : memref<16x512xf32, #tpu.memory_space<vmem>>) target(%dma_start3A_347 : memref<16x512xf32, #tpu.memory_space<hbm>>) target_semaphore(%arg33 : memref<!tpu.dma_semaphore, #tpu.memory_space<semaphore_mem>>)
        %dma_wait3A_351 = arith.constant 0 : i32
        %dma_wait3A_352 = arith.constant 0 : i32
        %dma_wait3A_353 = tpu.memref_slice %arg21[%dma_wait3A_351, %dma_wait3A_352] : memref<64x512xf32, #tpu.memory_space<vmem>> -> memref<16x512xf32, #tpu.memory_space<vmem>>
        %dma_wait3A_354 = arith.constant 0 : i32
        %dma_wait3A_355 = arith.constant 0 : i32
        %dma_wait3A_356 = tpu.memref_slice %arg2[%dma_wait3A_354, %dma_wait3A_355] : memref<100000x512xf32, #tpu.memory_space<hbm>> -> memref<16x512xf32, #tpu.memory_space<hbm>>
        %dma_wait3A_357 = arith.constant 0 : i32
        %dma_wait3A_358 = arith.constant 0 : i32
        %dma_wait3A_359 = tpu.memref_slice %arg21[%dma_wait3A_357, %dma_wait3A_358] : memref<64x512xf32, #tpu.memory_space<vmem>> -> memref<16x512xf32, #tpu.memory_space<vmem>>
        %dma_wait3A_360 = arith.constant 0 : i32
        %dma_wait3A_361 = arith.constant 0 : i32
        %dma_wait3A_362 = tpu.memref_slice %arg2[%dma_wait3A_360, %dma_wait3A_361] : memref<100000x512xf32, #tpu.memory_space<hbm>> -> memref<16x512xf32, #tpu.memory_space<hbm>>
        tpu.wait_dma2 semaphore(%arg30 : memref<!tpu.dma_semaphore, #tpu.memory_space<semaphore_mem>>) src(%dma_wait3A_362 : memref<16x512xf32, #tpu.memory_space<hbm>>) dst(%dma_wait3A_359 : memref<16x512xf32, #tpu.memory_space<vmem>>)
        %add3A_363 = arith.constant 3 : i32
        %add3A_364 = arith.addi %mul3A_250, %add3A_363 : i32
        %mul3A_365 = arith.constant 16 : i32
        %mul3A_366 = arith.muli %add3A_364, %mul3A_365 : i32
        %add3A_367 = arith.addi %mul3A_2, %mul3A_366 : i32
        %dma_start3A_368 = arith.constant 48 : i32
        %dma_start3A_369 = arith.constant 0 : i32
        %dma_start3A_370 = tpu.memref_slice %arg21[%dma_start3A_368, %dma_start3A_369] : memref<64x512xf32, #tpu.memory_space<vmem>> -> memref<16x512xf32, #tpu.memory_space<vmem>>
        %dma_start3A_371 = arith.constant 0 : i32
        %dma_start3A_372 = tpu.memref_slice %arg10[%add3A_367, %dma_start3A_371] : memref<100000x512xf32, #tpu.memory_space<hbm>> -> memref<16x512xf32, #tpu.memory_space<hbm>>
        %dma_start3A_373 = arith.constant 0 : i32
        %dma_start3A_374 = tpu.memref_slice %arg10[%add3A_367, %dma_start3A_373] : memref<100000x512xf32, #tpu.memory_space<hbm>> -> memref<16x512xf32, #tpu.memory_space<hbm>>
        %dma_start3A_375 = arith.constant 48 : i32
        %dma_start3A_376 = arith.constant 0 : i32
        %dma_start3A_377 = tpu.memref_slice %arg21[%dma_start3A_375, %dma_start3A_376] : memref<64x512xf32, #tpu.memory_space<vmem>> -> memref<16x512xf32, #tpu.memory_space<vmem>>
        tpu.enqueue_dma source(%dma_start3A_377 : memref<16x512xf32, #tpu.memory_space<vmem>>) target(%dma_start3A_374 : memref<16x512xf32, #tpu.memory_space<hbm>>) target_semaphore(%arg34 : memref<!tpu.dma_semaphore, #tpu.memory_space<semaphore_mem>>)
      } else {
      }
      %lt3A_266 = arith.cmpi slt, %while3A_248, %add3A_75 : i32
      %convert_element_type3A_267 = arith.extui %lt3A_266 : i1 to i32
      %cond3A_268 = arith.constant 0 : i32
      %cond3A_269 = arith.cmpi ne, %convert_element_type3A_267, %cond3A_268 : i32
      scf.if %cond3A_269 {
        %dma_wait3A = arith.constant 0 : i32
        %dma_wait3A_273 = arith.constant 0 : i32
        %dma_wait3A_274 = tpu.memref_slice %arg2[%dma_wait3A, %dma_wait3A_273] : memref<100000x512xf32, #tpu.memory_space<hbm>> -> memref<16x512xf32, #tpu.memory_space<hbm>>
        %dma_wait3A_275 = arith.constant 0 : i32
        %dma_wait3A_276 = arith.constant 0 : i32
        %dma_wait3A_277 = tpu.memref_slice %arg2[%dma_wait3A_275, %dma_wait3A_276] : memref<100000x512xf32, #tpu.memory_space<hbm>> -> memref<16x512xf32, #tpu.memory_space<hbm>>
        tpu.wait_dma2 semaphore(%arg23 : memref<!tpu.dma_semaphore, #tpu.memory_space<semaphore_mem>>) src(%dma_wait3A_277 : memref<16x512xf32, #tpu.memory_space<hbm>>) dst(%arg18 : memref<16x512xf32, #tpu.memory_space<vmem>>)
        %dma_start3A_278 = arith.constant 2 : i32
        %dma_start3A_279 = arith.constant 0 : i32
        %dma_start3A_280 = tpu.memref_slice %arg20[%dma_start3A_278, %dma_start3A_279] : memref<4x16xi32, #tpu.memory_space<vmem>> -> memref<1x16xi32, #tpu.memory_space<vmem>>
        %dma_start3A_281 = tpu.memref_squeeze %dma_start3A_280 : memref<1x16xi32, #tpu.memory_space<vmem>> -> memref<16xi32, #tpu.memory_space<vmem>>
        %dma_start3A_282 = arith.constant 0 : i32
        %dma_start3A_283 = arith.constant 0 : i32
        %dma_start3A_284 = tpu.memref_slice %arg8[%dma_start3A_282, %dma_start3A_283] : memref<16384x512xf32, #tpu.memory_space<hbm>> -> memref<16384x512xf32, #tpu.memory_space<hbm>>
        tpu.enqueue_indirect_dma source(%arg18 : memref<16x512xf32, #tpu.memory_space<vmem>>) target(%dma_start3A_284 : memref<16384x512xf32, #tpu.memory_space<hbm>>) offsets(%dma_start3A_281 : memref<16xi32, #tpu.memory_space<vmem>>) semaphore(%arg24 : memref<!tpu.dma_semaphore, #tpu.memory_space<semaphore_mem>>)
        %dma_wait3A_285 = arith.constant 0 : i32
        %dma_wait3A_286 = tpu.memref_slice %arg3[%dma_wait3A_285] : memref<100000xi32, #tpu.memory_space<hbm>> -> memref<16xi32, #tpu.memory_space<hbm>>
        %dma_wait3A_287 = arith.constant 0 : i32
        %dma_wait3A_288 = tpu.memref_slice %arg3[%dma_wait3A_287] : memref<100000xi32, #tpu.memory_space<hbm>> -> memref<16xi32, #tpu.memory_space<hbm>>
        tpu.wait_dma2 semaphore(%arg25 : memref<!tpu.dma_semaphore, #tpu.memory_space<semaphore_mem>>) src(%dma_wait3A_288 : memref<16xi32, #tpu.memory_space<hbm>>) dst(%arg19 : memref<16xi32, #tpu.memory_space<vmem>>)
        %dma_start3A_289 = arith.constant 2 : i32
        %dma_start3A_290 = arith.constant 0 : i32
        %dma_start3A_291 = tpu.memref_slice %arg20[%dma_start3A_289, %dma_start3A_290] : memref<4x16xi32, #tpu.memory_space<vmem>> -> memref<1x16xi32, #tpu.memory_space<vmem>>
        %dma_start3A_292 = tpu.memref_squeeze %dma_start3A_291 : memref<1x16xi32, #tpu.memory_space<vmem>> -> memref<16xi32, #tpu.memory_space<vmem>>
        %dma_start3A_293 = arith.constant 0 : i32
        %dma_start3A_294 = tpu.memref_slice %arg9[%dma_start3A_293] : memref<16384xi32, #tpu.memory_space<hbm>> -> memref<16384xi32, #tpu.memory_space<hbm>>
        tpu.enqueue_indirect_dma source(%arg19 : memref<16xi32, #tpu.memory_space<vmem>>) target(%dma_start3A_294 : memref<16384xi32, #tpu.memory_space<hbm>>) offsets(%dma_start3A_292 : memref<16xi32, #tpu.memory_space<vmem>>) semaphore(%arg26 : memref<!tpu.dma_semaphore, #tpu.memory_space<semaphore_mem>>)
        %dma_wait3A_295 = arith.constant 0 : i32
        %dma_wait3A_296 = arith.constant 0 : i32
        %dma_wait3A_297 = tpu.memref_slice %arg2[%dma_wait3A_295, %dma_wait3A_296] : memref<100000x512xf32, #tpu.memory_space<hbm>> -> memref<16x512xf32, #tpu.memory_space<hbm>>
        %dma_wait3A_298 = arith.constant 0 : i32
        %dma_wait3A_299 = arith.constant 0 : i32
        %dma_wait3A_300 = tpu.memref_slice %arg2[%dma_wait3A_298, %dma_wait3A_299] : memref<100000x512xf32, #tpu.memory_space<hbm>> -> memref<16x512xf32, #tpu.memory_space<hbm>>
        tpu.wait_dma2 semaphore(%arg24 : memref<!tpu.dma_semaphore, #tpu.memory_space<semaphore_mem>>) src(%dma_wait3A_300 : memref<16x512xf32, #tpu.memory_space<hbm>>) dst(%arg18 : memref<16x512xf32, #tpu.memory_space<vmem>>)
        %dma_wait3A_301 = arith.constant 0 : i32
        %dma_wait3A_302 = tpu.memref_slice %arg3[%dma_wait3A_301] : memref<100000xi32, #tpu.memory_space<hbm>> -> memref<16xi32, #tpu.memory_space<hbm>>
        %dma_wait3A_303 = arith.constant 0 : i32
        %dma_wait3A_304 = tpu.memref_slice %arg3[%dma_wait3A_303] : memref<100000xi32, #tpu.memory_space<hbm>> -> memref<16xi32, #tpu.memory_space<hbm>>
        tpu.wait_dma2 semaphore(%arg26 : memref<!tpu.dma_semaphore, #tpu.memory_space<semaphore_mem>>) src(%dma_wait3A_304 : memref<16xi32, #tpu.memory_space<hbm>>) dst(%arg19 : memref<16xi32, #tpu.memory_space<vmem>>)
      } else {
      }
      %convert_element_type3A_270 = arith.extui %lt3A : i1 to i32
      %cond3A_271 = arith.constant 0 : i32
      %cond3A_272 = arith.cmpi ne, %convert_element_type3A_270, %cond3A_271 : i32
      scf.if %cond3A_272 {
        %dma_wait3A = arith.constant 0 : i32
        %dma_wait3A_273 = arith.constant 0 : i32
        %dma_wait3A_274 = tpu.memref_slice %arg21[%dma_wait3A, %dma_wait3A_273] : memref<64x512xf32, #tpu.memory_space<vmem>> -> memref<16x512xf32, #tpu.memory_space<vmem>>
        %dma_wait3A_275 = arith.constant 0 : i32
        %dma_wait3A_276 = arith.constant 0 : i32
        %dma_wait3A_277 = tpu.memref_slice %arg2[%dma_wait3A_275, %dma_wait3A_276] : memref<100000x512xf32, #tpu.memory_space<hbm>> -> memref<16x512xf32, #tpu.memory_space<hbm>>
        %dma_wait3A_278 = arith.constant 0 : i32
        %dma_wait3A_279 = arith.constant 0 : i32
        %dma_wait3A_280 = tpu.memref_slice %arg21[%dma_wait3A_278, %dma_wait3A_279] : memref<64x512xf32, #tpu.memory_space<vmem>> -> memref<16x512xf32, #tpu.memory_space<vmem>>
        %dma_wait3A_281 = arith.constant 0 : i32
        %dma_wait3A_282 = arith.constant 0 : i32
        %dma_wait3A_283 = tpu.memref_slice %arg2[%dma_wait3A_281, %dma_wait3A_282] : memref<100000x512xf32, #tpu.memory_space<hbm>> -> memref<16x512xf32, #tpu.memory_space<hbm>>
        tpu.wait_dma2 semaphore(%arg31 : memref<!tpu.dma_semaphore, #tpu.memory_space<semaphore_mem>>) src(%dma_wait3A_283 : memref<16x512xf32, #tpu.memory_space<hbm>>) dst(%dma_wait3A_280 : memref<16x512xf32, #tpu.memory_space<vmem>>)
        %add3A_284 = arith.constant 4 : i32
        %add3A_285 = arith.addi %mul3A_250, %add3A_284 : i32
        %lt3A_286 = arith.cmpi slt, %add3A_285, %select_n3A_99 : i32
        %convert_element_type3A_287 = arith.extui %lt3A_286 : i1 to i32
        %cond3A_288 = arith.constant 0 : i32
        %cond3A_289 = arith.cmpi ne, %convert_element_type3A_287, %cond3A_288 : i32
        scf.if %cond3A_289 {
          %add3A_338 = arith.constant 4 : i32
          %add3A_339 = arith.addi %mul3A_250, %add3A_338 : i32
          %mul3A_340 = arith.constant 16 : i32
          %mul3A_341 = arith.muli %add3A_339, %mul3A_340 : i32
          %add3A_342 = arith.addi %mul3A_2, %mul3A_341 : i32
          %dma_start3A_343 = arith.constant 0 : i32
          %dma_start3A_344 = arith.constant 0 : i32
          %dma_start3A_345 = tpu.memref_slice %arg21[%dma_start3A_343, %dma_start3A_344] : memref<64x512xf32, #tpu.memory_space<vmem>> -> memref<16x512xf32, #tpu.memory_space<vmem>>
          %dma_start3A_346 = arith.constant 0 : i32
          %dma_start3A_347 = tpu.memref_slice %arg2[%add3A_342, %dma_start3A_346] : memref<100000x512xf32, #tpu.memory_space<hbm>> -> memref<16x512xf32, #tpu.memory_space<hbm>>
          %dma_start3A_348 = arith.constant 0 : i32
          %dma_start3A_349 = arith.constant 0 : i32
          %dma_start3A_350 = tpu.memref_slice %arg21[%dma_start3A_348, %dma_start3A_349] : memref<64x512xf32, #tpu.memory_space<vmem>> -> memref<16x512xf32, #tpu.memory_space<vmem>>
          %dma_start3A_351 = arith.constant 0 : i32
          %dma_start3A_352 = tpu.memref_slice %arg2[%add3A_342, %dma_start3A_351] : memref<100000x512xf32, #tpu.memory_space<hbm>> -> memref<16x512xf32, #tpu.memory_space<hbm>>
          tpu.enqueue_dma source(%dma_start3A_352 : memref<16x512xf32, #tpu.memory_space<hbm>>) target(%dma_start3A_350 : memref<16x512xf32, #tpu.memory_space<vmem>>) target_semaphore(%arg27 : memref<!tpu.dma_semaphore, #tpu.memory_space<semaphore_mem>>)
        } else {
        }
        %dma_wait3A_290 = arith.constant 0 : i32
        %dma_wait3A_291 = arith.constant 0 : i32
        %dma_wait3A_292 = tpu.memref_slice %arg21[%dma_wait3A_290, %dma_wait3A_291] : memref<64x512xf32, #tpu.memory_space<vmem>> -> memref<16x512xf32, #tpu.memory_space<vmem>>
        %dma_wait3A_293 = arith.constant 0 : i32
        %dma_wait3A_294 = arith.constant 0 : i32
        %dma_wait3A_295 = tpu.memref_slice %arg2[%dma_wait3A_293, %dma_wait3A_294] : memref<100000x512xf32, #tpu.memory_space<hbm>> -> memref<16x512xf32, #tpu.memory_space<hbm>>
        %dma_wait3A_296 = arith.constant 0 : i32
        %dma_wait3A_297 = arith.constant 0 : i32
        %dma_wait3A_298 = tpu.memref_slice %arg21[%dma_wait3A_296, %dma_wait3A_297] : memref<64x512xf32, #tpu.memory_space<vmem>> -> memref<16x512xf32, #tpu.memory_space<vmem>>
        %dma_wait3A_299 = arith.constant 0 : i32
        %dma_wait3A_300 = arith.constant 0 : i32
        %dma_wait3A_301 = tpu.memref_slice %arg2[%dma_wait3A_299, %dma_wait3A_300] : memref<100000x512xf32, #tpu.memory_space<hbm>> -> memref<16x512xf32, #tpu.memory_space<hbm>>
        tpu.wait_dma2 semaphore(%arg32 : memref<!tpu.dma_semaphore, #tpu.memory_space<semaphore_mem>>) src(%dma_wait3A_301 : memref<16x512xf32, #tpu.memory_space<hbm>>) dst(%dma_wait3A_298 : memref<16x512xf32, #tpu.memory_space<vmem>>)
        %add3A_302 = arith.constant 5 : i32
        %add3A_303 = arith.addi %mul3A_250, %add3A_302 : i32
        %lt3A_304 = arith.cmpi slt, %add3A_303, %select_n3A_99 : i32
        %convert_element_type3A_305 = arith.extui %lt3A_304 : i1 to i32
        %cond3A_306 = arith.constant 0 : i32
        %cond3A_307 = arith.cmpi ne, %convert_element_type3A_305, %cond3A_306 : i32
        scf.if %cond3A_307 {
          %add3A_338 = arith.constant 5 : i32
          %add3A_339 = arith.addi %mul3A_250, %add3A_338 : i32
          %mul3A_340 = arith.constant 16 : i32
          %mul3A_341 = arith.muli %add3A_339, %mul3A_340 : i32
          %add3A_342 = arith.addi %mul3A_2, %mul3A_341 : i32
          %dma_start3A_343 = arith.constant 16 : i32
          %dma_start3A_344 = arith.constant 0 : i32
          %dma_start3A_345 = tpu.memref_slice %arg21[%dma_start3A_343, %dma_start3A_344] : memref<64x512xf32, #tpu.memory_space<vmem>> -> memref<16x512xf32, #tpu.memory_space<vmem>>
          %dma_start3A_346 = arith.constant 0 : i32
          %dma_start3A_347 = tpu.memref_slice %arg2[%add3A_342, %dma_start3A_346] : memref<100000x512xf32, #tpu.memory_space<hbm>> -> memref<16x512xf32, #tpu.memory_space<hbm>>
          %dma_start3A_348 = arith.constant 16 : i32
          %dma_start3A_349 = arith.constant 0 : i32
          %dma_start3A_350 = tpu.memref_slice %arg21[%dma_start3A_348, %dma_start3A_349] : memref<64x512xf32, #tpu.memory_space<vmem>> -> memref<16x512xf32, #tpu.memory_space<vmem>>
          %dma_start3A_351 = arith.constant 0 : i32
          %dma_start3A_352 = tpu.memref_slice %arg2[%add3A_342, %dma_start3A_351] : memref<100000x512xf32, #tpu.memory_space<hbm>> -> memref<16x512xf32, #tpu.memory_space<hbm>>
          tpu.enqueue_dma source(%dma_start3A_352 : memref<16x512xf32, #tpu.memory_space<hbm>>) target(%dma_start3A_350 : memref<16x512xf32, #tpu.memory_space<vmem>>) target_semaphore(%arg28 : memref<!tpu.dma_semaphore, #tpu.memory_space<semaphore_mem>>)
        } else {
        }
        %dma_wait3A_308 = arith.constant 0 : i32
        %dma_wait3A_309 = arith.constant 0 : i32
        %dma_wait3A_310 = tpu.memref_slice %arg21[%dma_wait3A_308, %dma_wait3A_309] : memref<64x512xf32, #tpu.memory_space<vmem>> -> memref<16x512xf32, #tpu.memory_space<vmem>>
        %dma_wait3A_311 = arith.constant 0 : i32
        %dma_wait3A_312 = arith.constant 0 : i32
        %dma_wait3A_313 = tpu.memref_slice %arg2[%dma_wait3A_311, %dma_wait3A_312] : memref<100000x512xf32, #tpu.memory_space<hbm>> -> memref<16x512xf32, #tpu.memory_space<hbm>>
        %dma_wait3A_314 = arith.constant 0 : i32
        %dma_wait3A_315 = arith.constant 0 : i32
        %dma_wait3A_316 = tpu.memref_slice %arg21[%dma_wait3A_314, %dma_wait3A_315] : memref<64x512xf32, #tpu.memory_space<vmem>> -> memref<16x512xf32, #tpu.memory_space<vmem>>
        %dma_wait3A_317 = arith.constant 0 : i32
        %dma_wait3A_318 = arith.constant 0 : i32
        %dma_wait3A_319 = tpu.memref_slice %arg2[%dma_wait3A_317, %dma_wait3A_318] : memref<100000x512xf32, #tpu.memory_space<hbm>> -> memref<16x512xf32, #tpu.memory_space<hbm>>
        tpu.wait_dma2 semaphore(%arg33 : memref<!tpu.dma_semaphore, #tpu.memory_space<semaphore_mem>>) src(%dma_wait3A_319 : memref<16x512xf32, #tpu.memory_space<hbm>>) dst(%dma_wait3A_316 : memref<16x512xf32, #tpu.memory_space<vmem>>)
        %add3A_320 = arith.constant 6 : i32
        %add3A_321 = arith.addi %mul3A_250, %add3A_320 : i32
        %lt3A_322 = arith.cmpi slt, %add3A_321, %select_n3A_99 : i32
        %convert_element_type3A_323 = arith.extui %lt3A_322 : i1 to i32
        %cond3A_324 = arith.constant 0 : i32
        %cond3A_325 = arith.cmpi ne, %convert_element_type3A_323, %cond3A_324 : i32
        scf.if %cond3A_325 {
          %add3A_338 = arith.constant 6 : i32
          %add3A_339 = arith.addi %mul3A_250, %add3A_338 : i32
          %mul3A_340 = arith.constant 16 : i32
          %mul3A_341 = arith.muli %add3A_339, %mul3A_340 : i32
          %add3A_342 = arith.addi %mul3A_2, %mul3A_341 : i32
          %dma_start3A_343 = arith.constant 32 : i32
          %dma_start3A_344 = arith.constant 0 : i32
          %dma_start3A_345 = tpu.memref_slice %arg21[%dma_start3A_343, %dma_start3A_344] : memref<64x512xf32, #tpu.memory_space<vmem>> -> memref<16x512xf32, #tpu.memory_space<vmem>>
          %dma_start3A_346 = arith.constant 0 : i32
          %dma_start3A_347 = tpu.memref_slice %arg2[%add3A_342, %dma_start3A_346] : memref<100000x512xf32, #tpu.memory_space<hbm>> -> memref<16x512xf32, #tpu.memory_space<hbm>>
          %dma_start3A_348 = arith.constant 32 : i32
          %dma_start3A_349 = arith.constant 0 : i32
          %dma_start3A_350 = tpu.memref_slice %arg21[%dma_start3A_348, %dma_start3A_349] : memref<64x512xf32, #tpu.memory_space<vmem>> -> memref<16x512xf32, #tpu.memory_space<vmem>>
          %dma_start3A_351 = arith.constant 0 : i32
          %dma_start3A_352 = tpu.memref_slice %arg2[%add3A_342, %dma_start3A_351] : memref<100000x512xf32, #tpu.memory_space<hbm>> -> memref<16x512xf32, #tpu.memory_space<hbm>>
          tpu.enqueue_dma source(%dma_start3A_352 : memref<16x512xf32, #tpu.memory_space<hbm>>) target(%dma_start3A_350 : memref<16x512xf32, #tpu.memory_space<vmem>>) target_semaphore(%arg29 : memref<!tpu.dma_semaphore, #tpu.memory_space<semaphore_mem>>)
        } else {
        }
        %dma_wait3A_326 = arith.constant 0 : i32
        %dma_wait3A_327 = arith.constant 0 : i32
        %dma_wait3A_328 = tpu.memref_slice %arg21[%dma_wait3A_326, %dma_wait3A_327] : memref<64x512xf32, #tpu.memory_space<vmem>> -> memref<16x512xf32, #tpu.memory_space<vmem>>
        %dma_wait3A_329 = arith.constant 0 : i32
        %dma_wait3A_330 = arith.constant 0 : i32
        %dma_wait3A_331 = tpu.memref_slice %arg2[%dma_wait3A_329, %dma_wait3A_330] : memref<100000x512xf32, #tpu.memory_space<hbm>> -> memref<16x512xf32, #tpu.memory_space<hbm>>
        %dma_wait3A_332 = arith.constant 0 : i32
        %dma_wait3A_333 = arith.constant 0 : i32
        %dma_wait3A_334 = tpu.memref_slice %arg21[%dma_wait3A_332, %dma_wait3A_333] : memref<64x512xf32, #tpu.memory_space<vmem>> -> memref<16x512xf32, #tpu.memory_space<vmem>>
        %dma_wait3A_335 = arith.constant 0 : i32
        %dma_wait3A_336 = arith.constant 0 : i32
        %dma_wait3A_337 = tpu.memref_slice %arg2[%dma_wait3A_335, %dma_wait3A_336] : memref<100000x512xf32, #tpu.memory_space<hbm>> -> memref<16x512xf32, #tpu.memory_space<hbm>>
        tpu.wait_dma2 semaphore(%arg34 : memref<!tpu.dma_semaphore, #tpu.memory_space<semaphore_mem>>) src(%dma_wait3A_337 : memref<16x512xf32, #tpu.memory_space<hbm>>) dst(%dma_wait3A_334 : memref<16x512xf32, #tpu.memory_space<vmem>>)
      } else {
      }
    }
    %while3A_167 = arith.constant 1 : i32
    scf.for %while3A_248 = %while3A_165 to %while3A_161 step %while3A_167  : i32 {
      %lt3A = arith.cmpi slt, %while3A_248, %select_n3A_123 : i32
      %mul3A_249 = arith.constant 4 : i32
      %mul3A_250 = arith.muli %mul3A_249, %while3A_248 : i32
      %lt3A_251 = arith.cmpi slt, %while3A_248, %select_n3A_48 : i32
      %le3A = arith.cmpi sle, %select_n3A_48, %while3A_248 : i32
      %lt3A_252 = arith.cmpi slt, %while3A_248, %add3A_75 : i32
      %and3A_253 = arith.andi %le3A, %lt3A_252 : i1
      %convert_element_type3A_254 = arith.extui %lt3A : i1 to i32
      %cond3A_255 = arith.constant 0 : i32
      %cond3A_256 = arith.cmpi ne, %convert_element_type3A_254, %cond3A_255 : i32
      scf.if %cond3A_256 {
        %add3A_273 = arith.constant 3 : i32
        %add3A_274 = arith.addi %mul3A_250, %add3A_273 : i32
        %mul3A_275 = arith.constant 16 : i32
        %mul3A_276 = arith.muli %add3A_274, %mul3A_275 : i32
        %add3A_277 = arith.addi %mul3A_2, %mul3A_276 : i32
        %dma_start3A_278 = arith.constant 48 : i32
        %dma_start3A_279 = arith.constant 0 : i32
        %dma_start3A_280 = tpu.memref_slice %arg21[%dma_start3A_278, %dma_start3A_279] : memref<64x512xf32, #tpu.memory_space<vmem>> -> memref<16x512xf32, #tpu.memory_space<vmem>>
        %dma_start3A_281 = arith.constant 0 : i32
        %dma_start3A_282 = tpu.memref_slice %arg2[%add3A_277, %dma_start3A_281] : memref<100000x512xf32, #tpu.memory_space<hbm>> -> memref<16x512xf32, #tpu.memory_space<hbm>>
        %dma_start3A_283 = arith.constant 48 : i32
        %dma_start3A_284 = arith.constant 0 : i32
        %dma_start3A_285 = tpu.memref_slice %arg21[%dma_start3A_283, %dma_start3A_284] : memref<64x512xf32, #tpu.memory_space<vmem>> -> memref<16x512xf32, #tpu.memory_space<vmem>>
        %dma_start3A_286 = arith.constant 0 : i32
        %dma_start3A_287 = tpu.memref_slice %arg2[%add3A_277, %dma_start3A_286] : memref<100000x512xf32, #tpu.memory_space<hbm>> -> memref<16x512xf32, #tpu.memory_space<hbm>>
        tpu.enqueue_dma source(%dma_start3A_287 : memref<16x512xf32, #tpu.memory_space<hbm>>) target(%dma_start3A_285 : memref<16x512xf32, #tpu.memory_space<vmem>>) target_semaphore(%arg30 : memref<!tpu.dma_semaphore, #tpu.memory_space<semaphore_mem>>)
      } else {
      }
      %convert_element_type3A_257 = arith.extui %lt3A_251 : i1 to i32
      %cond3A_258 = arith.constant 0 : i32
      %cond3A_259 = arith.cmpi ne, %convert_element_type3A_257, %cond3A_258 : i32
      scf.if %cond3A_259 {
        %mul3A_273 = arith.constant 16 : i32
        %mul3A_274 = arith.muli %while3A_248, %mul3A_273 : i32
        %get3A = arith.index_cast %mul3A_274 : i32 to index
        %get3A_275 = tpu.vector_load %arg16[%get3A] {strides = array<i32>} : memref<16400xi32, #tpu.memory_space<vmem>>, vector<16xi32>,
        %add3A_276 = vector.broadcast %mul3A_274 : i32 to vector<16xi32>
        %add3A_277 = arith.addi %add3A_276, %iota3A : vector<16xi32>
        %lt3A_278 = vector.broadcast %scan3A_27#0 : i32 to vector<16xi32>
        %lt3A_279 = arith.cmpi slt, %add3A_277, %lt3A_278 : vector<16xi32>
        %add3A_280 = vector.broadcast %mul3A_274 : i32 to vector<16xi32>
        %add3A_281 = arith.addi %mul3A_8, %add3A_280 : vector<16xi32>
        %gather3A = tpu.vector_load_idx %arg16[%add3A_281] : memref<16400xi32, #tpu.memory_space<vmem>>[vector<16xi32>], vector<16xi32>,
        %select_n3A_282 = arith.select %lt3A_279, %get3A_275, %gather3A : vector<16xi1>, vector<16xi32>
        %and3A_283 = arith.constant 131071 : i32
        %and3A_284 = vector.broadcast %and3A_283 : i32 to vector<16xi32>
        %and3A_285 = arith.andi %select_n3A_282, %and3A_284 : vector<16xi32>
        %swap3A = arith.constant 0 : i32
        %swap3A_286 = arith.index_cast %swap3A : i32 to index
        %swap3A_287 = arith.constant 0 : index
        %swap3A_288 = tpu.vector_load %arg20[%swap3A_286, %swap3A_287] {strides = array<i32>} : memref<4x16xi32, #tpu.memory_space<vmem>>, vector<16xi32>,
        tpu.vector_store %arg20[%swap3A_286, %swap3A_287], %and3A_285 {strides = array<i32>} : memref<4x16xi32, #tpu.memory_space<vmem>>, vector<16xi32>,
        %shift_right_logical3A = arith.constant 17 : i32
        %shift_right_logical3A_289 = vector.broadcast %shift_right_logical3A : i32 to vector<16xi32>
        %shift_right_logical3A_290 = arith.shrui %select_n3A_282, %shift_right_logical3A_289 : vector<16xi32>
        %swap3A_291 = arith.constant 2 : i32
        %swap3A_292 = arith.index_cast %swap3A_291 : i32 to index
        %swap3A_293 = arith.constant 0 : index
        %swap3A_294 = tpu.vector_load %arg20[%swap3A_292, %swap3A_293] {strides = array<i32>} : memref<4x16xi32, #tpu.memory_space<vmem>>, vector<16xi32>,
        tpu.vector_store %arg20[%swap3A_292, %swap3A_293], %shift_right_logical3A_290 {strides = array<i32>} : memref<4x16xi32, #tpu.memory_space<vmem>>, vector<16xi32>,
        %dma_start3A_295 = arith.constant 0 : i32
        %dma_start3A_296 = arith.constant 0 : i32
        %dma_start3A_297 = tpu.memref_slice %arg20[%dma_start3A_295, %dma_start3A_296] : memref<4x16xi32, #tpu.memory_space<vmem>> -> memref<1x16xi32, #tpu.memory_space<vmem>>
        %dma_start3A_298 = tpu.memref_squeeze %dma_start3A_297 : memref<1x16xi32, #tpu.memory_space<vmem>> -> memref<16xi32, #tpu.memory_space<vmem>>
        %dma_start3A_299 = arith.constant 0 : i32
        %dma_start3A_300 = arith.constant 0 : i32
        %dma_start3A_301 = tpu.memref_slice %arg2[%dma_start3A_299, %dma_start3A_300] : memref<100000x512xf32, #tpu.memory_space<hbm>> -> memref<100000x512xf32, #tpu.memory_space<hbm>>
        tpu.enqueue_indirect_dma source(%dma_start3A_301 : memref<100000x512xf32, #tpu.memory_space<hbm>>) target(%arg18 : memref<16x512xf32, #tpu.memory_space<vmem>>) offsets(%dma_start3A_298 : memref<16xi32, #tpu.memory_space<vmem>>) semaphore(%arg23 : memref<!tpu.dma_semaphore, #tpu.memory_space<semaphore_mem>>)
        %dma_start3A_302 = arith.constant 0 : i32
        %dma_start3A_303 = arith.constant 0 : i32
        %dma_start3A_304 = tpu.memref_slice %arg20[%dma_start3A_302, %dma_start3A_303] : memref<4x16xi32, #tpu.memory_space<vmem>> -> memref<1x16xi32, #tpu.memory_space<vmem>>
        %dma_start3A_305 = tpu.memref_squeeze %dma_start3A_304 : memref<1x16xi32, #tpu.memory_space<vmem>> -> memref<16xi32, #tpu.memory_space<vmem>>
        %dma_start3A_306 = arith.constant 0 : i32
        %dma_start3A_307 = tpu.memref_slice %arg3[%dma_start3A_306] : memref<100000xi32, #tpu.memory_space<hbm>> -> memref<100000xi32, #tpu.memory_space<hbm>>
        tpu.enqueue_indirect_dma source(%dma_start3A_307 : memref<100000xi32, #tpu.memory_space<hbm>>) target(%arg19 : memref<16xi32, #tpu.memory_space<vmem>>) offsets(%dma_start3A_305 : memref<16xi32, #tpu.memory_space<vmem>>) semaphore(%arg25 : memref<!tpu.dma_semaphore, #tpu.memory_space<semaphore_mem>>)
      } else {
      }
      %convert_element_type3A_260 = arith.extui %and3A_253 : i1 to i32
      %cond3A_261 = arith.constant 0 : i32
      %cond3A_262 = arith.cmpi ne, %convert_element_type3A_260, %cond3A_261 : i32
      scf.if %cond3A_262 {
        %sub3A_273 = arith.subi %while3A_248, %select_n3A_48 : i32
        %mul3A_274 = arith.constant 16 : i32
        %mul3A_275 = arith.muli %sub3A_273, %mul3A_274 : i32
        %get3A = arith.index_cast %mul3A_275 : i32 to index
        %get3A_276 = tpu.vector_load %arg17[%get3A] {strides = array<i32>} : memref<16400xi32, #tpu.memory_space<vmem>>, vector<16xi32>,
        %add3A_277 = vector.broadcast %mul3A_275 : i32 to vector<16xi32>
        %add3A_278 = arith.addi %add3A_277, %iota3A : vector<16xi32>
        %lt3A_279 = vector.broadcast %scan3A_27#1 : i32 to vector<16xi32>
        %lt3A_280 = arith.cmpi slt, %add3A_278, %lt3A_279 : vector<16xi32>
        %add3A_281 = vector.broadcast %mul3A_275 : i32 to vector<16xi32>
        %add3A_282 = arith.addi %mul3A_8, %add3A_281 : vector<16xi32>
        %gather3A = tpu.vector_load_idx %arg17[%add3A_282] : memref<16400xi32, #tpu.memory_space<vmem>>[vector<16xi32>], vector<16xi32>,
        %select_n3A_283 = arith.select %lt3A_280, %get3A_276, %gather3A : vector<16xi1>, vector<16xi32>
        %and3A_284 = arith.constant 16383 : i32
        %and3A_285 = vector.broadcast %and3A_284 : i32 to vector<16xi32>
        %and3A_286 = arith.andi %select_n3A_283, %and3A_285 : vector<16xi32>
        %swap3A = arith.constant 0 : i32
        %swap3A_287 = arith.index_cast %swap3A : i32 to index
        %swap3A_288 = arith.constant 0 : index
        %swap3A_289 = tpu.vector_load %arg20[%swap3A_287, %swap3A_288] {strides = array<i32>} : memref<4x16xi32, #tpu.memory_space<vmem>>, vector<16xi32>,
        tpu.vector_store %arg20[%swap3A_287, %swap3A_288], %and3A_286 {strides = array<i32>} : memref<4x16xi32, #tpu.memory_space<vmem>>, vector<16xi32>,
        %shift_right_logical3A = arith.constant 14 : i32
        %shift_right_logical3A_290 = vector.broadcast %shift_right_logical3A : i32 to vector<16xi32>
        %shift_right_logical3A_291 = arith.shrui %select_n3A_283, %shift_right_logical3A_290 : vector<16xi32>
        %swap3A_292 = arith.constant 2 : i32
        %swap3A_293 = arith.index_cast %swap3A_292 : i32 to index
        %swap3A_294 = arith.constant 0 : index
        %swap3A_295 = tpu.vector_load %arg20[%swap3A_293, %swap3A_294] {strides = array<i32>} : memref<4x16xi32, #tpu.memory_space<vmem>>, vector<16xi32>,
        tpu.vector_store %arg20[%swap3A_293, %swap3A_294], %shift_right_logical3A_291 {strides = array<i32>} : memref<4x16xi32, #tpu.memory_space<vmem>>, vector<16xi32>,
        %dma_start3A_296 = arith.constant 0 : i32
        %dma_start3A_297 = arith.constant 0 : i32
        %dma_start3A_298 = tpu.memref_slice %arg20[%dma_start3A_296, %dma_start3A_297] : memref<4x16xi32, #tpu.memory_space<vmem>> -> memref<1x16xi32, #tpu.memory_space<vmem>>
        %dma_start3A_299 = tpu.memref_squeeze %dma_start3A_298 : memref<1x16xi32, #tpu.memory_space<vmem>> -> memref<16xi32, #tpu.memory_space<vmem>>
        %dma_start3A_300 = arith.constant 0 : i32
        %dma_start3A_301 = arith.constant 0 : i32
        %dma_start3A_302 = tpu.memref_slice %arg4[%dma_start3A_300, %dma_start3A_301] : memref<16384x512xf32, #tpu.memory_space<hbm>> -> memref<16384x512xf32, #tpu.memory_space<hbm>>
        tpu.enqueue_indirect_dma source(%dma_start3A_302 : memref<16384x512xf32, #tpu.memory_space<hbm>>) target(%arg18 : memref<16x512xf32, #tpu.memory_space<vmem>>) offsets(%dma_start3A_299 : memref<16xi32, #tpu.memory_space<vmem>>) semaphore(%arg23 : memref<!tpu.dma_semaphore, #tpu.memory_space<semaphore_mem>>)
        %dma_start3A_303 = arith.constant 0 : i32
        %dma_start3A_304 = arith.constant 0 : i32
        %dma_start3A_305 = tpu.memref_slice %arg20[%dma_start3A_303, %dma_start3A_304] : memref<4x16xi32, #tpu.memory_space<vmem>> -> memref<1x16xi32, #tpu.memory_space<vmem>>
        %dma_start3A_306 = tpu.memref_squeeze %dma_start3A_305 : memref<1x16xi32, #tpu.memory_space<vmem>> -> memref<16xi32, #tpu.memory_space<vmem>>
        %dma_start3A_307 = arith.constant 0 : i32
        %dma_start3A_308 = tpu.memref_slice %arg5[%dma_start3A_307] : memref<16384xi32, #tpu.memory_space<hbm>> -> memref<16384xi32, #tpu.memory_space<hbm>>
        tpu.enqueue_indirect_dma source(%dma_start3A_308 : memref<16384xi32, #tpu.memory_space<hbm>>) target(%arg19 : memref<16xi32, #tpu.memory_space<vmem>>) offsets(%dma_start3A_306 : memref<16xi32, #tpu.memory_space<vmem>>) semaphore(%arg25 : memref<!tpu.dma_semaphore, #tpu.memory_space<semaphore_mem>>)
      } else {
      }
      %convert_element_type3A_263 = arith.extui %lt3A : i1 to i32
      %cond3A_264 = arith.constant 0 : i32
      %cond3A_265 = arith.cmpi ne, %convert_element_type3A_263, %cond3A_264 : i32
      scf.if %cond3A_265 {
        %dma_wait3A = arith.constant 0 : i32
        %dma_wait3A_273 = arith.constant 0 : i32
        %dma_wait3A_274 = tpu.memref_slice %arg21[%dma_wait3A, %dma_wait3A_273] : memref<64x512xf32, #tpu.memory_space<vmem>> -> memref<16x512xf32, #tpu.memory_space<vmem>>
        %dma_wait3A_275 = arith.constant 0 : i32
        %dma_wait3A_276 = arith.constant 0 : i32
        %dma_wait3A_277 = tpu.memref_slice %arg2[%dma_wait3A_275, %dma_wait3A_276] : memref<100000x512xf32, #tpu.memory_space<hbm>> -> memref<16x512xf32, #tpu.memory_space<hbm>>
        %dma_wait3A_278 = arith.constant 0 : i32
        %dma_wait3A_279 = arith.constant 0 : i32
        %dma_wait3A_280 = tpu.memref_slice %arg21[%dma_wait3A_278, %dma_wait3A_279] : memref<64x512xf32, #tpu.memory_space<vmem>> -> memref<16x512xf32, #tpu.memory_space<vmem>>
        %dma_wait3A_281 = arith.constant 0 : i32
        %dma_wait3A_282 = arith.constant 0 : i32
        %dma_wait3A_283 = tpu.memref_slice %arg2[%dma_wait3A_281, %dma_wait3A_282] : memref<100000x512xf32, #tpu.memory_space<hbm>> -> memref<16x512xf32, #tpu.memory_space<hbm>>
        tpu.wait_dma2 semaphore(%arg27 : memref<!tpu.dma_semaphore, #tpu.memory_space<semaphore_mem>>) src(%dma_wait3A_283 : memref<16x512xf32, #tpu.memory_space<hbm>>) dst(%dma_wait3A_280 : memref<16x512xf32, #tpu.memory_space<vmem>>)
        %mul3A_284 = arith.constant 16 : i32
        %mul3A_285 = arith.muli %mul3A_250, %mul3A_284 : i32
        %add3A_286 = arith.addi %mul3A_2, %mul3A_285 : i32
        %dma_start3A_287 = arith.constant 0 : i32
        %dma_start3A_288 = arith.constant 0 : i32
        %dma_start3A_289 = tpu.memref_slice %arg21[%dma_start3A_287, %dma_start3A_288] : memref<64x512xf32, #tpu.memory_space<vmem>> -> memref<16x512xf32, #tpu.memory_space<vmem>>
        %dma_start3A_290 = arith.constant 0 : i32
        %dma_start3A_291 = tpu.memref_slice %arg10[%add3A_286, %dma_start3A_290] : memref<100000x512xf32, #tpu.memory_space<hbm>> -> memref<16x512xf32, #tpu.memory_space<hbm>>
        %dma_start3A_292 = arith.constant 0 : i32
        %dma_start3A_293 = tpu.memref_slice %arg10[%add3A_286, %dma_start3A_292] : memref<100000x512xf32, #tpu.memory_space<hbm>> -> memref<16x512xf32, #tpu.memory_space<hbm>>
        %dma_start3A_294 = arith.constant 0 : i32
        %dma_start3A_295 = arith.constant 0 : i32
        %dma_start3A_296 = tpu.memref_slice %arg21[%dma_start3A_294, %dma_start3A_295] : memref<64x512xf32, #tpu.memory_space<vmem>> -> memref<16x512xf32, #tpu.memory_space<vmem>>
        tpu.enqueue_dma source(%dma_start3A_296 : memref<16x512xf32, #tpu.memory_space<vmem>>) target(%dma_start3A_293 : memref<16x512xf32, #tpu.memory_space<hbm>>) target_semaphore(%arg31 : memref<!tpu.dma_semaphore, #tpu.memory_space<semaphore_mem>>)
        %dma_wait3A_297 = arith.constant 0 : i32
        %dma_wait3A_298 = arith.constant 0 : i32
        %dma_wait3A_299 = tpu.memref_slice %arg21[%dma_wait3A_297, %dma_wait3A_298] : memref<64x512xf32, #tpu.memory_space<vmem>> -> memref<16x512xf32, #tpu.memory_space<vmem>>
        %dma_wait3A_300 = arith.constant 0 : i32
        %dma_wait3A_301 = arith.constant 0 : i32
        %dma_wait3A_302 = tpu.memref_slice %arg2[%dma_wait3A_300, %dma_wait3A_301] : memref<100000x512xf32, #tpu.memory_space<hbm>> -> memref<16x512xf32, #tpu.memory_space<hbm>>
        %dma_wait3A_303 = arith.constant 0 : i32
        %dma_wait3A_304 = arith.constant 0 : i32
        %dma_wait3A_305 = tpu.memref_slice %arg21[%dma_wait3A_303, %dma_wait3A_304] : memref<64x512xf32, #tpu.memory_space<vmem>> -> memref<16x512xf32, #tpu.memory_space<vmem>>
        %dma_wait3A_306 = arith.constant 0 : i32
        %dma_wait3A_307 = arith.constant 0 : i32
        %dma_wait3A_308 = tpu.memref_slice %arg2[%dma_wait3A_306, %dma_wait3A_307] : memref<100000x512xf32, #tpu.memory_space<hbm>> -> memref<16x512xf32, #tpu.memory_space<hbm>>
        tpu.wait_dma2 semaphore(%arg28 : memref<!tpu.dma_semaphore, #tpu.memory_space<semaphore_mem>>) src(%dma_wait3A_308 : memref<16x512xf32, #tpu.memory_space<hbm>>) dst(%dma_wait3A_305 : memref<16x512xf32, #tpu.memory_space<vmem>>)
        %add3A_309 = arith.constant 1 : i32
        %add3A_310 = arith.addi %mul3A_250, %add3A_309 : i32
        %mul3A_311 = arith.constant 16 : i32
        %mul3A_312 = arith.muli %add3A_310, %mul3A_311 : i32
        %add3A_313 = arith.addi %mul3A_2, %mul3A_312 : i32
        %dma_start3A_314 = arith.constant 16 : i32
        %dma_start3A_315 = arith.constant 0 : i32
        %dma_start3A_316 = tpu.memref_slice %arg21[%dma_start3A_314, %dma_start3A_315] : memref<64x512xf32, #tpu.memory_space<vmem>> -> memref<16x512xf32, #tpu.memory_space<vmem>>
        %dma_start3A_317 = arith.constant 0 : i32
        %dma_start3A_318 = tpu.memref_slice %arg10[%add3A_313, %dma_start3A_317] : memref<100000x512xf32, #tpu.memory_space<hbm>> -> memref<16x512xf32, #tpu.memory_space<hbm>>
        %dma_start3A_319 = arith.constant 0 : i32
        %dma_start3A_320 = tpu.memref_slice %arg10[%add3A_313, %dma_start3A_319] : memref<100000x512xf32, #tpu.memory_space<hbm>> -> memref<16x512xf32, #tpu.memory_space<hbm>>
        %dma_start3A_321 = arith.constant 16 : i32
        %dma_start3A_322 = arith.constant 0 : i32
        %dma_start3A_323 = tpu.memref_slice %arg21[%dma_start3A_321, %dma_start3A_322] : memref<64x512xf32, #tpu.memory_space<vmem>> -> memref<16x512xf32, #tpu.memory_space<vmem>>
        tpu.enqueue_dma source(%dma_start3A_323 : memref<16x512xf32, #tpu.memory_space<vmem>>) target(%dma_start3A_320 : memref<16x512xf32, #tpu.memory_space<hbm>>) target_semaphore(%arg32 : memref<!tpu.dma_semaphore, #tpu.memory_space<semaphore_mem>>)
        %dma_wait3A_324 = arith.constant 0 : i32
        %dma_wait3A_325 = arith.constant 0 : i32
        %dma_wait3A_326 = tpu.memref_slice %arg21[%dma_wait3A_324, %dma_wait3A_325] : memref<64x512xf32, #tpu.memory_space<vmem>> -> memref<16x512xf32, #tpu.memory_space<vmem>>
        %dma_wait3A_327 = arith.constant 0 : i32
        %dma_wait3A_328 = arith.constant 0 : i32
        %dma_wait3A_329 = tpu.memref_slice %arg2[%dma_wait3A_327, %dma_wait3A_328] : memref<100000x512xf32, #tpu.memory_space<hbm>> -> memref<16x512xf32, #tpu.memory_space<hbm>>
        %dma_wait3A_330 = arith.constant 0 : i32
        %dma_wait3A_331 = arith.constant 0 : i32
        %dma_wait3A_332 = tpu.memref_slice %arg21[%dma_wait3A_330, %dma_wait3A_331] : memref<64x512xf32, #tpu.memory_space<vmem>> -> memref<16x512xf32, #tpu.memory_space<vmem>>
        %dma_wait3A_333 = arith.constant 0 : i32
        %dma_wait3A_334 = arith.constant 0 : i32
        %dma_wait3A_335 = tpu.memref_slice %arg2[%dma_wait3A_333, %dma_wait3A_334] : memref<100000x512xf32, #tpu.memory_space<hbm>> -> memref<16x512xf32, #tpu.memory_space<hbm>>
        tpu.wait_dma2 semaphore(%arg29 : memref<!tpu.dma_semaphore, #tpu.memory_space<semaphore_mem>>) src(%dma_wait3A_335 : memref<16x512xf32, #tpu.memory_space<hbm>>) dst(%dma_wait3A_332 : memref<16x512xf32, #tpu.memory_space<vmem>>)
        %add3A_336 = arith.constant 2 : i32
        %add3A_337 = arith.addi %mul3A_250, %add3A_336 : i32
        %mul3A_338 = arith.constant 16 : i32
        %mul3A_339 = arith.muli %add3A_337, %mul3A_338 : i32
        %add3A_340 = arith.addi %mul3A_2, %mul3A_339 : i32
        %dma_start3A_341 = arith.constant 32 : i32
        %dma_start3A_342 = arith.constant 0 : i32
        %dma_start3A_343 = tpu.memref_slice %arg21[%dma_start3A_341, %dma_start3A_342] : memref<64x512xf32, #tpu.memory_space<vmem>> -> memref<16x512xf32, #tpu.memory_space<vmem>>
        %dma_start3A_344 = arith.constant 0 : i32
        %dma_start3A_345 = tpu.memref_slice %arg10[%add3A_340, %dma_start3A_344] : memref<100000x512xf32, #tpu.memory_space<hbm>> -> memref<16x512xf32, #tpu.memory_space<hbm>>
        %dma_start3A_346 = arith.constant 0 : i32
        %dma_start3A_347 = tpu.memref_slice %arg10[%add3A_340, %dma_start3A_346] : memref<100000x512xf32, #tpu.memory_space<hbm>> -> memref<16x512xf32, #tpu.memory_space<hbm>>
        %dma_start3A_348 = arith.constant 32 : i32
        %dma_start3A_349 = arith.constant 0 : i32
        %dma_start3A_350 = tpu.memref_slice %arg21[%dma_start3A_348, %dma_start3A_349] : memref<64x512xf32, #tpu.memory_space<vmem>> -> memref<16x512xf32, #tpu.memory_space<vmem>>
        tpu.enqueue_dma source(%dma_start3A_350 : memref<16x512xf32, #tpu.memory_space<vmem>>) target(%dma_start3A_347 : memref<16x512xf32, #tpu.memory_space<hbm>>) target_semaphore(%arg33 : memref<!tpu.dma_semaphore, #tpu.memory_space<semaphore_mem>>)
        %dma_wait3A_351 = arith.constant 0 : i32
        %dma_wait3A_352 = arith.constant 0 : i32
        %dma_wait3A_353 = tpu.memref_slice %arg21[%dma_wait3A_351, %dma_wait3A_352] : memref<64x512xf32, #tpu.memory_space<vmem>> -> memref<16x512xf32, #tpu.memory_space<vmem>>
        %dma_wait3A_354 = arith.constant 0 : i32
        %dma_wait3A_355 = arith.constant 0 : i32
        %dma_wait3A_356 = tpu.memref_slice %arg2[%dma_wait3A_354, %dma_wait3A_355] : memref<100000x512xf32, #tpu.memory_space<hbm>> -> memref<16x512xf32, #tpu.memory_space<hbm>>
        %dma_wait3A_357 = arith.constant 0 : i32
        %dma_wait3A_358 = arith.constant 0 : i32
        %dma_wait3A_359 = tpu.memref_slice %arg21[%dma_wait3A_357, %dma_wait3A_358] : memref<64x512xf32, #tpu.memory_space<vmem>> -> memref<16x512xf32, #tpu.memory_space<vmem>>
        %dma_wait3A_360 = arith.constant 0 : i32
        %dma_wait3A_361 = arith.constant 0 : i32
        %dma_wait3A_362 = tpu.memref_slice %arg2[%dma_wait3A_360, %dma_wait3A_361] : memref<100000x512xf32, #tpu.memory_space<hbm>> -> memref<16x512xf32, #tpu.memory_space<hbm>>
        tpu.wait_dma2 semaphore(%arg30 : memref<!tpu.dma_semaphore, #tpu.memory_space<semaphore_mem>>) src(%dma_wait3A_362 : memref<16x512xf32, #tpu.memory_space<hbm>>) dst(%dma_wait3A_359 : memref<16x512xf32, #tpu.memory_space<vmem>>)
        %add3A_363 = arith.constant 3 : i32
        %add3A_364 = arith.addi %mul3A_250, %add3A_363 : i32
        %mul3A_365 = arith.constant 16 : i32
        %mul3A_366 = arith.muli %add3A_364, %mul3A_365 : i32
        %add3A_367 = arith.addi %mul3A_2, %mul3A_366 : i32
        %dma_start3A_368 = arith.constant 48 : i32
        %dma_start3A_369 = arith.constant 0 : i32
        %dma_start3A_370 = tpu.memref_slice %arg21[%dma_start3A_368, %dma_start3A_369] : memref<64x512xf32, #tpu.memory_space<vmem>> -> memref<16x512xf32, #tpu.memory_space<vmem>>
        %dma_start3A_371 = arith.constant 0 : i32
        %dma_start3A_372 = tpu.memref_slice %arg10[%add3A_367, %dma_start3A_371] : memref<100000x512xf32, #tpu.memory_space<hbm>> -> memref<16x512xf32, #tpu.memory_space<hbm>>
        %dma_start3A_373 = arith.constant 0 : i32
        %dma_start3A_374 = tpu.memref_slice %arg10[%add3A_367, %dma_start3A_373] : memref<100000x512xf32, #tpu.memory_space<hbm>> -> memref<16x512xf32, #tpu.memory_space<hbm>>
        %dma_start3A_375 = arith.constant 48 : i32
        %dma_start3A_376 = arith.constant 0 : i32
        %dma_start3A_377 = tpu.memref_slice %arg21[%dma_start3A_375, %dma_start3A_376] : memref<64x512xf32, #tpu.memory_space<vmem>> -> memref<16x512xf32, #tpu.memory_space<vmem>>
        tpu.enqueue_dma source(%dma_start3A_377 : memref<16x512xf32, #tpu.memory_space<vmem>>) target(%dma_start3A_374 : memref<16x512xf32, #tpu.memory_space<hbm>>) target_semaphore(%arg34 : memref<!tpu.dma_semaphore, #tpu.memory_space<semaphore_mem>>)
      } else {
      }
      %lt3A_266 = arith.cmpi slt, %while3A_248, %add3A_75 : i32
      %convert_element_type3A_267 = arith.extui %lt3A_266 : i1 to i32
      %cond3A_268 = arith.constant 0 : i32
      %cond3A_269 = arith.cmpi ne, %convert_element_type3A_267, %cond3A_268 : i32
      scf.if %cond3A_269 {
        %dma_wait3A = arith.constant 0 : i32
        %dma_wait3A_273 = arith.constant 0 : i32
        %dma_wait3A_274 = tpu.memref_slice %arg2[%dma_wait3A, %dma_wait3A_273] : memref<100000x512xf32, #tpu.memory_space<hbm>> -> memref<16x512xf32, #tpu.memory_space<hbm>>
        %dma_wait3A_275 = arith.constant 0 : i32
        %dma_wait3A_276 = arith.constant 0 : i32
        %dma_wait3A_277 = tpu.memref_slice %arg2[%dma_wait3A_275, %dma_wait3A_276] : memref<100000x512xf32, #tpu.memory_space<hbm>> -> memref<16x512xf32, #tpu.memory_space<hbm>>
        tpu.wait_dma2 semaphore(%arg23 : memref<!tpu.dma_semaphore, #tpu.memory_space<semaphore_mem>>) src(%dma_wait3A_277 : memref<16x512xf32, #tpu.memory_space<hbm>>) dst(%arg18 : memref<16x512xf32, #tpu.memory_space<vmem>>)
        %dma_start3A_278 = arith.constant 2 : i32
        %dma_start3A_279 = arith.constant 0 : i32
        %dma_start3A_280 = tpu.memref_slice %arg20[%dma_start3A_278, %dma_start3A_279] : memref<4x16xi32, #tpu.memory_space<vmem>> -> memref<1x16xi32, #tpu.memory_space<vmem>>
        %dma_start3A_281 = tpu.memref_squeeze %dma_start3A_280 : memref<1x16xi32, #tpu.memory_space<vmem>> -> memref<16xi32, #tpu.memory_space<vmem>>
        %dma_start3A_282 = arith.constant 0 : i32
        %dma_start3A_283 = arith.constant 0 : i32
        %dma_start3A_284 = tpu.memref_slice %arg8[%dma_start3A_282, %dma_start3A_283] : memref<16384x512xf32, #tpu.memory_space<hbm>> -> memref<16384x512xf32, #tpu.memory_space<hbm>>
        tpu.enqueue_indirect_dma source(%arg18 : memref<16x512xf32, #tpu.memory_space<vmem>>) target(%dma_start3A_284 : memref<16384x512xf32, #tpu.memory_space<hbm>>) offsets(%dma_start3A_281 : memref<16xi32, #tpu.memory_space<vmem>>) semaphore(%arg24 : memref<!tpu.dma_semaphore, #tpu.memory_space<semaphore_mem>>)
        %dma_wait3A_285 = arith.constant 0 : i32
        %dma_wait3A_286 = tpu.memref_slice %arg3[%dma_wait3A_285] : memref<100000xi32, #tpu.memory_space<hbm>> -> memref<16xi32, #tpu.memory_space<hbm>>
        %dma_wait3A_287 = arith.constant 0 : i32
        %dma_wait3A_288 = tpu.memref_slice %arg3[%dma_wait3A_287] : memref<100000xi32, #tpu.memory_space<hbm>> -> memref<16xi32, #tpu.memory_space<hbm>>
        tpu.wait_dma2 semaphore(%arg25 : memref<!tpu.dma_semaphore, #tpu.memory_space<semaphore_mem>>) src(%dma_wait3A_288 : memref<16xi32, #tpu.memory_space<hbm>>) dst(%arg19 : memref<16xi32, #tpu.memory_space<vmem>>)
        %dma_start3A_289 = arith.constant 2 : i32
        %dma_start3A_290 = arith.constant 0 : i32
        %dma_start3A_291 = tpu.memref_slice %arg20[%dma_start3A_289, %dma_start3A_290] : memref<4x16xi32, #tpu.memory_space<vmem>> -> memref<1x16xi32, #tpu.memory_space<vmem>>
        %dma_start3A_292 = tpu.memref_squeeze %dma_start3A_291 : memref<1x16xi32, #tpu.memory_space<vmem>> -> memref<16xi32, #tpu.memory_space<vmem>>
        %dma_start3A_293 = arith.constant 0 : i32
        %dma_start3A_294 = tpu.memref_slice %arg9[%dma_start3A_293] : memref<16384xi32, #tpu.memory_space<hbm>> -> memref<16384xi32, #tpu.memory_space<hbm>>
        tpu.enqueue_indirect_dma source(%arg19 : memref<16xi32, #tpu.memory_space<vmem>>) target(%dma_start3A_294 : memref<16384xi32, #tpu.memory_space<hbm>>) offsets(%dma_start3A_292 : memref<16xi32, #tpu.memory_space<vmem>>) semaphore(%arg26 : memref<!tpu.dma_semaphore, #tpu.memory_space<semaphore_mem>>)
        %dma_wait3A_295 = arith.constant 0 : i32
        %dma_wait3A_296 = arith.constant 0 : i32
        %dma_wait3A_297 = tpu.memref_slice %arg2[%dma_wait3A_295, %dma_wait3A_296] : memref<100000x512xf32, #tpu.memory_space<hbm>> -> memref<16x512xf32, #tpu.memory_space<hbm>>
        %dma_wait3A_298 = arith.constant 0 : i32
        %dma_wait3A_299 = arith.constant 0 : i32
        %dma_wait3A_300 = tpu.memref_slice %arg2[%dma_wait3A_298, %dma_wait3A_299] : memref<100000x512xf32, #tpu.memory_space<hbm>> -> memref<16x512xf32, #tpu.memory_space<hbm>>
        tpu.wait_dma2 semaphore(%arg24 : memref<!tpu.dma_semaphore, #tpu.memory_space<semaphore_mem>>) src(%dma_wait3A_300 : memref<16x512xf32, #tpu.memory_space<hbm>>) dst(%arg18 : memref<16x512xf32, #tpu.memory_space<vmem>>)
        %dma_wait3A_301 = arith.constant 0 : i32
        %dma_wait3A_302 = tpu.memref_slice %arg3[%dma_wait3A_301] : memref<100000xi32, #tpu.memory_space<hbm>> -> memref<16xi32, #tpu.memory_space<hbm>>
        %dma_wait3A_303 = arith.constant 0 : i32
        %dma_wait3A_304 = tpu.memref_slice %arg3[%dma_wait3A_303] : memref<100000xi32, #tpu.memory_space<hbm>> -> memref<16xi32, #tpu.memory_space<hbm>>
        tpu.wait_dma2 semaphore(%arg26 : memref<!tpu.dma_semaphore, #tpu.memory_space<semaphore_mem>>) src(%dma_wait3A_304 : memref<16xi32, #tpu.memory_space<hbm>>) dst(%arg19 : memref<16xi32, #tpu.memory_space<vmem>>)
      } else {
      }
      %convert_element_type3A_270 = arith.extui %lt3A : i1 to i32
      %cond3A_271 = arith.constant 0 : i32
      %cond3A_272 = arith.cmpi ne, %convert_element_type3A_270, %cond3A_271 : i32
      scf.if %cond3A_272 {
        %dma_wait3A = arith.constant 0 : i32
        %dma_wait3A_273 = arith.constant 0 : i32
        %dma_wait3A_274 = tpu.memref_slice %arg21[%dma_wait3A, %dma_wait3A_273] : memref<64x512xf32, #tpu.memory_space<vmem>> -> memref<16x512xf32, #tpu.memory_space<vmem>>
        %dma_wait3A_275 = arith.constant 0 : i32
        %dma_wait3A_276 = arith.constant 0 : i32
        %dma_wait3A_277 = tpu.memref_slice %arg2[%dma_wait3A_275, %dma_wait3A_276] : memref<100000x512xf32, #tpu.memory_space<hbm>> -> memref<16x512xf32, #tpu.memory_space<hbm>>
        %dma_wait3A_278 = arith.constant 0 : i32
        %dma_wait3A_279 = arith.constant 0 : i32
        %dma_wait3A_280 = tpu.memref_slice %arg21[%dma_wait3A_278, %dma_wait3A_279] : memref<64x512xf32, #tpu.memory_space<vmem>> -> memref<16x512xf32, #tpu.memory_space<vmem>>
        %dma_wait3A_281 = arith.constant 0 : i32
        %dma_wait3A_282 = arith.constant 0 : i32
        %dma_wait3A_283 = tpu.memref_slice %arg2[%dma_wait3A_281, %dma_wait3A_282] : memref<100000x512xf32, #tpu.memory_space<hbm>> -> memref<16x512xf32, #tpu.memory_space<hbm>>
        tpu.wait_dma2 semaphore(%arg31 : memref<!tpu.dma_semaphore, #tpu.memory_space<semaphore_mem>>) src(%dma_wait3A_283 : memref<16x512xf32, #tpu.memory_space<hbm>>) dst(%dma_wait3A_280 : memref<16x512xf32, #tpu.memory_space<vmem>>)
        %add3A_284 = arith.constant 4 : i32
        %add3A_285 = arith.addi %mul3A_250, %add3A_284 : i32
        %lt3A_286 = arith.cmpi slt, %add3A_285, %select_n3A_99 : i32
        %convert_element_type3A_287 = arith.extui %lt3A_286 : i1 to i32
        %cond3A_288 = arith.constant 0 : i32
        %cond3A_289 = arith.cmpi ne, %convert_element_type3A_287, %cond3A_288 : i32
        scf.if %cond3A_289 {
          %add3A_338 = arith.constant 4 : i32
          %add3A_339 = arith.addi %mul3A_250, %add3A_338 : i32
          %mul3A_340 = arith.constant 16 : i32
          %mul3A_341 = arith.muli %add3A_339, %mul3A_340 : i32
          %add3A_342 = arith.addi %mul3A_2, %mul3A_341 : i32
          %dma_start3A_343 = arith.constant 0 : i32
          %dma_start3A_344 = arith.constant 0 : i32
          %dma_start3A_345 = tpu.memref_slice %arg21[%dma_start3A_343, %dma_start3A_344] : memref<64x512xf32, #tpu.memory_space<vmem>> -> memref<16x512xf32, #tpu.memory_space<vmem>>
          %dma_start3A_346 = arith.constant 0 : i32
          %dma_start3A_347 = tpu.memref_slice %arg2[%add3A_342, %dma_start3A_346] : memref<100000x512xf32, #tpu.memory_space<hbm>> -> memref<16x512xf32, #tpu.memory_space<hbm>>
          %dma_start3A_348 = arith.constant 0 : i32
          %dma_start3A_349 = arith.constant 0 : i32
          %dma_start3A_350 = tpu.memref_slice %arg21[%dma_start3A_348, %dma_start3A_349] : memref<64x512xf32, #tpu.memory_space<vmem>> -> memref<16x512xf32, #tpu.memory_space<vmem>>
          %dma_start3A_351 = arith.constant 0 : i32
          %dma_start3A_352 = tpu.memref_slice %arg2[%add3A_342, %dma_start3A_351] : memref<100000x512xf32, #tpu.memory_space<hbm>> -> memref<16x512xf32, #tpu.memory_space<hbm>>
          tpu.enqueue_dma source(%dma_start3A_352 : memref<16x512xf32, #tpu.memory_space<hbm>>) target(%dma_start3A_350 : memref<16x512xf32, #tpu.memory_space<vmem>>) target_semaphore(%arg27 : memref<!tpu.dma_semaphore, #tpu.memory_space<semaphore_mem>>)
        } else {
        }
        %dma_wait3A_290 = arith.constant 0 : i32
        %dma_wait3A_291 = arith.constant 0 : i32
        %dma_wait3A_292 = tpu.memref_slice %arg21[%dma_wait3A_290, %dma_wait3A_291] : memref<64x512xf32, #tpu.memory_space<vmem>> -> memref<16x512xf32, #tpu.memory_space<vmem>>
        %dma_wait3A_293 = arith.constant 0 : i32
        %dma_wait3A_294 = arith.constant 0 : i32
        %dma_wait3A_295 = tpu.memref_slice %arg2[%dma_wait3A_293, %dma_wait3A_294] : memref<100000x512xf32, #tpu.memory_space<hbm>> -> memref<16x512xf32, #tpu.memory_space<hbm>>
        %dma_wait3A_296 = arith.constant 0 : i32
        %dma_wait3A_297 = arith.constant 0 : i32
        %dma_wait3A_298 = tpu.memref_slice %arg21[%dma_wait3A_296, %dma_wait3A_297] : memref<64x512xf32, #tpu.memory_space<vmem>> -> memref<16x512xf32, #tpu.memory_space<vmem>>
        %dma_wait3A_299 = arith.constant 0 : i32
        %dma_wait3A_300 = arith.constant 0 : i32
        %dma_wait3A_301 = tpu.memref_slice %arg2[%dma_wait3A_299, %dma_wait3A_300] : memref<100000x512xf32, #tpu.memory_space<hbm>> -> memref<16x512xf32, #tpu.memory_space<hbm>>
        tpu.wait_dma2 semaphore(%arg32 : memref<!tpu.dma_semaphore, #tpu.memory_space<semaphore_mem>>) src(%dma_wait3A_301 : memref<16x512xf32, #tpu.memory_space<hbm>>) dst(%dma_wait3A_298 : memref<16x512xf32, #tpu.memory_space<vmem>>)
        %add3A_302 = arith.constant 5 : i32
        %add3A_303 = arith.addi %mul3A_250, %add3A_302 : i32
        %lt3A_304 = arith.cmpi slt, %add3A_303, %select_n3A_99 : i32
        %convert_element_type3A_305 = arith.extui %lt3A_304 : i1 to i32
        %cond3A_306 = arith.constant 0 : i32
        %cond3A_307 = arith.cmpi ne, %convert_element_type3A_305, %cond3A_306 : i32
        scf.if %cond3A_307 {
          %add3A_338 = arith.constant 5 : i32
          %add3A_339 = arith.addi %mul3A_250, %add3A_338 : i32
          %mul3A_340 = arith.constant 16 : i32
          %mul3A_341 = arith.muli %add3A_339, %mul3A_340 : i32
          %add3A_342 = arith.addi %mul3A_2, %mul3A_341 : i32
          %dma_start3A_343 = arith.constant 16 : i32
          %dma_start3A_344 = arith.constant 0 : i32
          %dma_start3A_345 = tpu.memref_slice %arg21[%dma_start3A_343, %dma_start3A_344] : memref<64x512xf32, #tpu.memory_space<vmem>> -> memref<16x512xf32, #tpu.memory_space<vmem>>
          %dma_start3A_346 = arith.constant 0 : i32
          %dma_start3A_347 = tpu.memref_slice %arg2[%add3A_342, %dma_start3A_346] : memref<100000x512xf32, #tpu.memory_space<hbm>> -> memref<16x512xf32, #tpu.memory_space<hbm>>
          %dma_start3A_348 = arith.constant 16 : i32
          %dma_start3A_349 = arith.constant 0 : i32
          %dma_start3A_350 = tpu.memref_slice %arg21[%dma_start3A_348, %dma_start3A_349] : memref<64x512xf32, #tpu.memory_space<vmem>> -> memref<16x512xf32, #tpu.memory_space<vmem>>
          %dma_start3A_351 = arith.constant 0 : i32
          %dma_start3A_352 = tpu.memref_slice %arg2[%add3A_342, %dma_start3A_351] : memref<100000x512xf32, #tpu.memory_space<hbm>> -> memref<16x512xf32, #tpu.memory_space<hbm>>
          tpu.enqueue_dma source(%dma_start3A_352 : memref<16x512xf32, #tpu.memory_space<hbm>>) target(%dma_start3A_350 : memref<16x512xf32, #tpu.memory_space<vmem>>) target_semaphore(%arg28 : memref<!tpu.dma_semaphore, #tpu.memory_space<semaphore_mem>>)
        } else {
        }
        %dma_wait3A_308 = arith.constant 0 : i32
        %dma_wait3A_309 = arith.constant 0 : i32
        %dma_wait3A_310 = tpu.memref_slice %arg21[%dma_wait3A_308, %dma_wait3A_309] : memref<64x512xf32, #tpu.memory_space<vmem>> -> memref<16x512xf32, #tpu.memory_space<vmem>>
        %dma_wait3A_311 = arith.constant 0 : i32
        %dma_wait3A_312 = arith.constant 0 : i32
        %dma_wait3A_313 = tpu.memref_slice %arg2[%dma_wait3A_311, %dma_wait3A_312] : memref<100000x512xf32, #tpu.memory_space<hbm>> -> memref<16x512xf32, #tpu.memory_space<hbm>>
        %dma_wait3A_314 = arith.constant 0 : i32
        %dma_wait3A_315 = arith.constant 0 : i32
        %dma_wait3A_316 = tpu.memref_slice %arg21[%dma_wait3A_314, %dma_wait3A_315] : memref<64x512xf32, #tpu.memory_space<vmem>> -> memref<16x512xf32, #tpu.memory_space<vmem>>
        %dma_wait3A_317 = arith.constant 0 : i32
        %dma_wait3A_318 = arith.constant 0 : i32
        %dma_wait3A_319 = tpu.memref_slice %arg2[%dma_wait3A_317, %dma_wait3A_318] : memref<100000x512xf32, #tpu.memory_space<hbm>> -> memref<16x512xf32, #tpu.memory_space<hbm>>
        tpu.wait_dma2 semaphore(%arg33 : memref<!tpu.dma_semaphore, #tpu.memory_space<semaphore_mem>>) src(%dma_wait3A_319 : memref<16x512xf32, #tpu.memory_space<hbm>>) dst(%dma_wait3A_316 : memref<16x512xf32, #tpu.memory_space<vmem>>)
        %add3A_320 = arith.constant 6 : i32
        %add3A_321 = arith.addi %mul3A_250, %add3A_320 : i32
        %lt3A_322 = arith.cmpi slt, %add3A_321, %select_n3A_99 : i32
        %convert_element_type3A_323 = arith.extui %lt3A_322 : i1 to i32
        %cond3A_324 = arith.constant 0 : i32
        %cond3A_325 = arith.cmpi ne, %convert_element_type3A_323, %cond3A_324 : i32
        scf.if %cond3A_325 {
          %add3A_338 = arith.constant 6 : i32
          %add3A_339 = arith.addi %mul3A_250, %add3A_338 : i32
          %mul3A_340 = arith.constant 16 : i32
          %mul3A_341 = arith.muli %add3A_339, %mul3A_340 : i32
          %add3A_342 = arith.addi %mul3A_2, %mul3A_341 : i32
          %dma_start3A_343 = arith.constant 32 : i32
          %dma_start3A_344 = arith.constant 0 : i32
          %dma_start3A_345 = tpu.memref_slice %arg21[%dma_start3A_343, %dma_start3A_344] : memref<64x512xf32, #tpu.memory_space<vmem>> -> memref<16x512xf32, #tpu.memory_space<vmem>>
          %dma_start3A_346 = arith.constant 0 : i32
          %dma_start3A_347 = tpu.memref_slice %arg2[%add3A_342, %dma_start3A_346] : memref<100000x512xf32, #tpu.memory_space<hbm>> -> memref<16x512xf32, #tpu.memory_space<hbm>>
          %dma_start3A_348 = arith.constant 32 : i32
          %dma_start3A_349 = arith.constant 0 : i32
          %dma_start3A_350 = tpu.memref_slice %arg21[%dma_start3A_348, %dma_start3A_349] : memref<64x512xf32, #tpu.memory_space<vmem>> -> memref<16x512xf32, #tpu.memory_space<vmem>>
          %dma_start3A_351 = arith.constant 0 : i32
          %dma_start3A_352 = tpu.memref_slice %arg2[%add3A_342, %dma_start3A_351] : memref<100000x512xf32, #tpu.memory_space<hbm>> -> memref<16x512xf32, #tpu.memory_space<hbm>>
          tpu.enqueue_dma source(%dma_start3A_352 : memref<16x512xf32, #tpu.memory_space<hbm>>) target(%dma_start3A_350 : memref<16x512xf32, #tpu.memory_space<vmem>>) target_semaphore(%arg29 : memref<!tpu.dma_semaphore, #tpu.memory_space<semaphore_mem>>)
        } else {
        }
        %dma_wait3A_326 = arith.constant 0 : i32
        %dma_wait3A_327 = arith.constant 0 : i32
        %dma_wait3A_328 = tpu.memref_slice %arg21[%dma_wait3A_326, %dma_wait3A_327] : memref<64x512xf32, #tpu.memory_space<vmem>> -> memref<16x512xf32, #tpu.memory_space<vmem>>
        %dma_wait3A_329 = arith.constant 0 : i32
        %dma_wait3A_330 = arith.constant 0 : i32
        %dma_wait3A_331 = tpu.memref_slice %arg2[%dma_wait3A_329, %dma_wait3A_330] : memref<100000x512xf32, #tpu.memory_space<hbm>> -> memref<16x512xf32, #tpu.memory_space<hbm>>
        %dma_wait3A_332 = arith.constant 0 : i32
        %dma_wait3A_333 = arith.constant 0 : i32
        %dma_wait3A_334 = tpu.memref_slice %arg21[%dma_wait3A_332, %dma_wait3A_333] : memref<64x512xf32, #tpu.memory_space<vmem>> -> memref<16x512xf32, #tpu.memory_space<vmem>>
        %dma_wait3A_335 = arith.constant 0 : i32
        %dma_wait3A_336 = arith.constant 0 : i32
        %dma_wait3A_337 = tpu.memref_slice %arg2[%dma_wait3A_335, %dma_wait3A_336] : memref<100000x512xf32, #tpu.memory_space<hbm>> -> memref<16x512xf32, #tpu.memory_space<hbm>>
        tpu.wait_dma2 semaphore(%arg34 : memref<!tpu.dma_semaphore, #tpu.memory_space<semaphore_mem>>) src(%dma_wait3A_337 : memref<16x512xf32, #tpu.memory_space<hbm>>) dst(%dma_wait3A_334 : memref<16x512xf32, #tpu.memory_space<vmem>>)
      } else {
      }
    }
    %convert_element_type3A = arith.extui %eq3A_3 : i1 to i32
    %cond3A = arith.constant 0 : i32
    %cond3A_168 = arith.cmpi ne, %convert_element_type3A, %cond3A : i32
    scf.if %cond3A_168 {
      %dma_wait3A = arith.constant 0 : i32
      %dma_wait3A_248 = arith.constant 0 : i32
      %dma_wait3A_249 = tpu.memref_slice %arg21[%dma_wait3A, %dma_wait3A_248] : memref<64x512xf32, #tpu.memory_space<vmem>> -> memref<16x512xf32, #tpu.memory_space<vmem>>
      %dma_wait3A_250 = arith.constant 0 : i32
      %dma_wait3A_251 = arith.constant 0 : i32
      %dma_wait3A_252 = tpu.memref_slice %arg2[%dma_wait3A_250, %dma_wait3A_251] : memref<100000x512xf32, #tpu.memory_space<hbm>> -> memref<16x512xf32, #tpu.memory_space<hbm>>
      %dma_wait3A_253 = arith.constant 0 : i32
      %dma_wait3A_254 = arith.constant 0 : i32
      %dma_wait3A_255 = tpu.memref_slice %arg21[%dma_wait3A_253, %dma_wait3A_254] : memref<64x512xf32, #tpu.memory_space<vmem>> -> memref<16x512xf32, #tpu.memory_space<vmem>>
      %dma_wait3A_256 = arith.constant 0 : i32
      %dma_wait3A_257 = arith.constant 0 : i32
      %dma_wait3A_258 = tpu.memref_slice %arg2[%dma_wait3A_256, %dma_wait3A_257] : memref<100000x512xf32, #tpu.memory_space<hbm>> -> memref<16x512xf32, #tpu.memory_space<hbm>>
      tpu.wait_dma2 semaphore(%arg27 : memref<!tpu.dma_semaphore, #tpu.memory_space<semaphore_mem>>) src(%dma_wait3A_258 : memref<16x512xf32, #tpu.memory_space<hbm>>) dst(%dma_wait3A_255 : memref<16x512xf32, #tpu.memory_space<vmem>>)
      %add3A_259 = arith.constant 2752 : i32
      %add3A_260 = arith.addi %mul3A_2, %add3A_259 : i32
      %dma_start3A_261 = arith.constant 0 : i32
      %dma_start3A_262 = arith.constant 0 : i32
      %dma_start3A_263 = tpu.memref_slice %arg21[%dma_start3A_261, %dma_start3A_262] : memref<64x512xf32, #tpu.memory_space<vmem>> -> memref<16x512xf32, #tpu.memory_space<vmem>>
      %dma_start3A_264 = arith.constant 0 : i32
      %dma_start3A_265 = tpu.memref_slice %arg10[%add3A_260, %dma_start3A_264] : memref<100000x512xf32, #tpu.memory_space<hbm>> -> memref<16x512xf32, #tpu.memory_space<hbm>>
      %dma_start3A_266 = arith.constant 0 : i32
      %dma_start3A_267 = tpu.memref_slice %arg10[%add3A_260, %dma_start3A_266] : memref<100000x512xf32, #tpu.memory_space<hbm>> -> memref<16x512xf32, #tpu.memory_space<hbm>>
      %dma_start3A_268 = arith.constant 0 : i32
      %dma_start3A_269 = arith.constant 0 : i32
      %dma_start3A_270 = tpu.memref_slice %arg21[%dma_start3A_268, %dma_start3A_269] : memref<64x512xf32, #tpu.memory_space<vmem>> -> memref<16x512xf32, #tpu.memory_space<vmem>>
      tpu.enqueue_dma source(%dma_start3A_270 : memref<16x512xf32, #tpu.memory_space<vmem>>) target(%dma_start3A_267 : memref<16x512xf32, #tpu.memory_space<hbm>>) target_semaphore(%arg31 : memref<!tpu.dma_semaphore, #tpu.memory_space<semaphore_mem>>)
      %dma_wait3A_271 = arith.constant 0 : i32
      %dma_wait3A_272 = arith.constant 0 : i32
      %dma_wait3A_273 = tpu.memref_slice %arg21[%dma_wait3A_271, %dma_wait3A_272] : memref<64x512xf32, #tpu.memory_space<vmem>> -> memref<16x512xf32, #tpu.memory_space<vmem>>
      %dma_wait3A_274 = arith.constant 0 : i32
      %dma_wait3A_275 = arith.constant 0 : i32
      %dma_wait3A_276 = tpu.memref_slice %arg2[%dma_wait3A_274, %dma_wait3A_275] : memref<100000x512xf32, #tpu.memory_space<hbm>> -> memref<16x512xf32, #tpu.memory_space<hbm>>
      %dma_wait3A_277 = arith.constant 0 : i32
      %dma_wait3A_278 = arith.constant 0 : i32
      %dma_wait3A_279 = tpu.memref_slice %arg21[%dma_wait3A_277, %dma_wait3A_278] : memref<64x512xf32, #tpu.memory_space<vmem>> -> memref<16x512xf32, #tpu.memory_space<vmem>>
      %dma_wait3A_280 = arith.constant 0 : i32
      %dma_wait3A_281 = arith.constant 0 : i32
      %dma_wait3A_282 = tpu.memref_slice %arg2[%dma_wait3A_280, %dma_wait3A_281] : memref<100000x512xf32, #tpu.memory_space<hbm>> -> memref<16x512xf32, #tpu.memory_space<hbm>>
      tpu.wait_dma2 semaphore(%arg28 : memref<!tpu.dma_semaphore, #tpu.memory_space<semaphore_mem>>) src(%dma_wait3A_282 : memref<16x512xf32, #tpu.memory_space<hbm>>) dst(%dma_wait3A_279 : memref<16x512xf32, #tpu.memory_space<vmem>>)
      %add3A_283 = arith.constant 2768 : i32
      %add3A_284 = arith.addi %mul3A_2, %add3A_283 : i32
      %dma_start3A_285 = arith.constant 16 : i32
      %dma_start3A_286 = arith.constant 0 : i32
      %dma_start3A_287 = tpu.memref_slice %arg21[%dma_start3A_285, %dma_start3A_286] : memref<64x512xf32, #tpu.memory_space<vmem>> -> memref<16x512xf32, #tpu.memory_space<vmem>>
      %dma_start3A_288 = arith.constant 0 : i32
      %dma_start3A_289 = tpu.memref_slice %arg10[%add3A_284, %dma_start3A_288] : memref<100000x512xf32, #tpu.memory_space<hbm>> -> memref<16x512xf32, #tpu.memory_space<hbm>>
      %dma_start3A_290 = arith.constant 0 : i32
      %dma_start3A_291 = tpu.memref_slice %arg10[%add3A_284, %dma_start3A_290] : memref<100000x512xf32, #tpu.memory_space<hbm>> -> memref<16x512xf32, #tpu.memory_space<hbm>>
      %dma_start3A_292 = arith.constant 16 : i32
      %dma_start3A_293 = arith.constant 0 : i32
      %dma_start3A_294 = tpu.memref_slice %arg21[%dma_start3A_292, %dma_start3A_293] : memref<64x512xf32, #tpu.memory_space<vmem>> -> memref<16x512xf32, #tpu.memory_space<vmem>>
      tpu.enqueue_dma source(%dma_start3A_294 : memref<16x512xf32, #tpu.memory_space<vmem>>) target(%dma_start3A_291 : memref<16x512xf32, #tpu.memory_space<hbm>>) target_semaphore(%arg32 : memref<!tpu.dma_semaphore, #tpu.memory_space<semaphore_mem>>)
      %dma_wait3A_295 = arith.constant 0 : i32
      %dma_wait3A_296 = arith.constant 0 : i32
      %dma_wait3A_297 = tpu.memref_slice %arg21[%dma_wait3A_295, %dma_wait3A_296] : memref<64x512xf32, #tpu.memory_space<vmem>> -> memref<16x512xf32, #tpu.memory_space<vmem>>
      %dma_wait3A_298 = arith.constant 0 : i32
      %dma_wait3A_299 = arith.constant 0 : i32
      %dma_wait3A_300 = tpu.memref_slice %arg2[%dma_wait3A_298, %dma_wait3A_299] : memref<100000x512xf32, #tpu.memory_space<hbm>> -> memref<16x512xf32, #tpu.memory_space<hbm>>
      %dma_wait3A_301 = arith.constant 0 : i32
      %dma_wait3A_302 = arith.constant 0 : i32
      %dma_wait3A_303 = tpu.memref_slice %arg21[%dma_wait3A_301, %dma_wait3A_302] : memref<64x512xf32, #tpu.memory_space<vmem>> -> memref<16x512xf32, #tpu.memory_space<vmem>>
      %dma_wait3A_304 = arith.constant 0 : i32
      %dma_wait3A_305 = arith.constant 0 : i32
      %dma_wait3A_306 = tpu.memref_slice %arg2[%dma_wait3A_304, %dma_wait3A_305] : memref<100000x512xf32, #tpu.memory_space<hbm>> -> memref<16x512xf32, #tpu.memory_space<hbm>>
      tpu.wait_dma2 semaphore(%arg31 : memref<!tpu.dma_semaphore, #tpu.memory_space<semaphore_mem>>) src(%dma_wait3A_306 : memref<16x512xf32, #tpu.memory_space<hbm>>) dst(%dma_wait3A_303 : memref<16x512xf32, #tpu.memory_space<vmem>>)
      %dma_wait3A_307 = arith.constant 0 : i32
      %dma_wait3A_308 = arith.constant 0 : i32
      %dma_wait3A_309 = tpu.memref_slice %arg21[%dma_wait3A_307, %dma_wait3A_308] : memref<64x512xf32, #tpu.memory_space<vmem>> -> memref<16x512xf32, #tpu.memory_space<vmem>>
      %dma_wait3A_310 = arith.constant 0 : i32
      %dma_wait3A_311 = arith.constant 0 : i32
      %dma_wait3A_312 = tpu.memref_slice %arg2[%dma_wait3A_310, %dma_wait3A_311] : memref<100000x512xf32, #tpu.memory_space<hbm>> -> memref<16x512xf32, #tpu.memory_space<hbm>>
      %dma_wait3A_313 = arith.constant 0 : i32
      %dma_wait3A_314 = arith.constant 0 : i32
      %dma_wait3A_315 = tpu.memref_slice %arg21[%dma_wait3A_313, %dma_wait3A_314] : memref<64x512xf32, #tpu.memory_space<vmem>> -> memref<16x512xf32, #tpu.memory_space<vmem>>
      %dma_wait3A_316 = arith.constant 0 : i32
      %dma_wait3A_317 = arith.constant 0 : i32
      %dma_wait3A_318 = tpu.memref_slice %arg2[%dma_wait3A_316, %dma_wait3A_317] : memref<100000x512xf32, #tpu.memory_space<hbm>> -> memref<16x512xf32, #tpu.memory_space<hbm>>
      tpu.wait_dma2 semaphore(%arg32 : memref<!tpu.dma_semaphore, #tpu.memory_space<semaphore_mem>>) src(%dma_wait3A_318 : memref<16x512xf32, #tpu.memory_space<hbm>>) dst(%dma_wait3A_315 : memref<16x512xf32, #tpu.memory_space<vmem>>)
    } else {
    }
    %not3A = arith.constant true
    %not3A_169 = arith.xori %eq3A_3, %not3A : i1
    %convert_element_type3A_170 = arith.extui %not3A_169 : i1 to i32
    %cond3A_171 = arith.constant 0 : i32
    %cond3A_172 = arith.cmpi ne, %convert_element_type3A_170, %cond3A_171 : i32
    scf.if %cond3A_172 {
      "tpu.region"() ({
        %run_scoped3A = tpu.sem_alloc : memref<!tpu.dma_semaphore, #tpu.memory_space<semaphore_mem>>
        %dma_start3A_248 = tpu.memref_slice %arg3[%mul3A_2] : memref<100000xi32, #tpu.memory_space<hbm>> -> memref<3136xi32, #tpu.memory_space<hbm>>
        %dma_start3A_249 = tpu.memref_slice %arg3[%mul3A_2] : memref<100000xi32, #tpu.memory_space<hbm>> -> memref<3136xi32, #tpu.memory_space<hbm>>
        tpu.enqueue_dma source(%dma_start3A_249 : memref<3136xi32, #tpu.memory_space<hbm>>) target(%arg22 : memref<3136xi32, #tpu.memory_space<vmem>>) target_semaphore(%run_scoped3A : memref<!tpu.dma_semaphore, #tpu.memory_space<semaphore_mem>>)
        %dma_wait3A = tpu.memref_slice %arg3[%mul3A_2] : memref<100000xi32, #tpu.memory_space<hbm>> -> memref<3136xi32, #tpu.memory_space<hbm>>
        %dma_wait3A_250 = tpu.memref_slice %arg3[%mul3A_2] : memref<100000xi32, #tpu.memory_space<hbm>> -> memref<3136xi32, #tpu.memory_space<hbm>>
        tpu.wait_dma2 semaphore(%run_scoped3A : memref<!tpu.dma_semaphore, #tpu.memory_space<semaphore_mem>>) src(%dma_wait3A_250 : memref<3136xi32, #tpu.memory_space<hbm>>) dst(%arg22 : memref<3136xi32, #tpu.memory_space<vmem>>)
        tpu.yield
      }) : () -> ()
      "tpu.region"() ({
        %run_scoped3A = tpu.sem_alloc : memref<!tpu.dma_semaphore, #tpu.memory_space<semaphore_mem>>
        %dma_start3A_248 = tpu.memref_slice %arg11[%mul3A_2] : memref<100000xi32, #tpu.memory_space<hbm>> -> memref<3136xi32, #tpu.memory_space<hbm>>
        %dma_start3A_249 = tpu.memref_slice %arg11[%mul3A_2] : memref<100000xi32, #tpu.memory_space<hbm>> -> memref<3136xi32, #tpu.memory_space<hbm>>
        tpu.enqueue_dma source(%arg22 : memref<3136xi32, #tpu.memory_space<vmem>>) target(%dma_start3A_249 : memref<3136xi32, #tpu.memory_space<hbm>>) target_semaphore(%run_scoped3A : memref<!tpu.dma_semaphore, #tpu.memory_space<semaphore_mem>>)
        %dma_wait3A = tpu.memref_slice %arg11[%mul3A_2] : memref<100000xi32, #tpu.memory_space<hbm>> -> memref<3136xi32, #tpu.memory_space<hbm>>
        %dma_wait3A_250 = tpu.memref_slice %arg11[%mul3A_2] : memref<100000xi32, #tpu.memory_space<hbm>> -> memref<3136xi32, #tpu.memory_space<hbm>>
        tpu.wait_dma2 semaphore(%run_scoped3A : memref<!tpu.dma_semaphore, #tpu.memory_space<semaphore_mem>>) src(%arg22 : memref<3136xi32, #tpu.memory_space<vmem>>) dst(%dma_wait3A_250 : memref<3136xi32, #tpu.memory_space<hbm>>)
        tpu.yield
      }) : () -> ()
    } else {
    }
    %convert_element_type3A_173 = arith.extui %eq3A_3 : i1 to i32
    %cond3A_174 = arith.constant 0 : i32
    %cond3A_175 = arith.cmpi ne, %convert_element_type3A_173, %cond3A_174 : i32
    scf.if %cond3A_175 {
      "tpu.region"() ({
        %run_scoped3A = tpu.sem_alloc : memref<!tpu.dma_semaphore, #tpu.memory_space<semaphore_mem>>
        %dma_start3A_248 = arith.constant 0 : i32
        %dma_start3A_249 = tpu.memref_slice %arg22[%dma_start3A_248] : memref<3136xi32, #tpu.memory_space<vmem>> -> memref<2784xi32, #tpu.memory_space<vmem>>
        %dma_start3A_250 = tpu.memref_slice %arg3[%mul3A_2] : memref<100000xi32, #tpu.memory_space<hbm>> -> memref<2784xi32, #tpu.memory_space<hbm>>
        %dma_start3A_251 = arith.constant 0 : i32
        %dma_start3A_252 = tpu.memref_slice %arg22[%dma_start3A_251] : memref<3136xi32, #tpu.memory_space<vmem>> -> memref<2784xi32, #tpu.memory_space<vmem>>
        %dma_start3A_253 = tpu.memref_slice %arg3[%mul3A_2] : memref<100000xi32, #tpu.memory_space<hbm>> -> memref<2784xi32, #tpu.memory_space<hbm>>
        tpu.enqueue_dma source(%dma_start3A_253 : memref<2784xi32, #tpu.memory_space<hbm>>) target(%dma_start3A_252 : memref<2784xi32, #tpu.memory_space<vmem>>) target_semaphore(%run_scoped3A : memref<!tpu.dma_semaphore, #tpu.memory_space<semaphore_mem>>)
        %dma_wait3A = arith.constant 0 : i32
        %dma_wait3A_254 = tpu.memref_slice %arg22[%dma_wait3A] : memref<3136xi32, #tpu.memory_space<vmem>> -> memref<2784xi32, #tpu.memory_space<vmem>>
        %dma_wait3A_255 = tpu.memref_slice %arg3[%mul3A_2] : memref<100000xi32, #tpu.memory_space<hbm>> -> memref<2784xi32, #tpu.memory_space<hbm>>
        %dma_wait3A_256 = arith.constant 0 : i32
        %dma_wait3A_257 = tpu.memref_slice %arg22[%dma_wait3A_256] : memref<3136xi32, #tpu.memory_space<vmem>> -> memref<2784xi32, #tpu.memory_space<vmem>>
        %dma_wait3A_258 = tpu.memref_slice %arg3[%mul3A_2] : memref<100000xi32, #tpu.memory_space<hbm>> -> memref<2784xi32, #tpu.memory_space<hbm>>
        tpu.wait_dma2 semaphore(%run_scoped3A : memref<!tpu.dma_semaphore, #tpu.memory_space<semaphore_mem>>) src(%dma_wait3A_258 : memref<2784xi32, #tpu.memory_space<hbm>>) dst(%dma_wait3A_257 : memref<2784xi32, #tpu.memory_space<vmem>>)
        tpu.yield
      }) : () -> ()
      "tpu.region"() ({
        %run_scoped3A = tpu.sem_alloc : memref<!tpu.dma_semaphore, #tpu.memory_space<semaphore_mem>>
        %dma_start3A_248 = arith.constant 0 : i32
        %dma_start3A_249 = tpu.memref_slice %arg22[%dma_start3A_248] : memref<3136xi32, #tpu.memory_space<vmem>> -> memref<2784xi32, #tpu.memory_space<vmem>>
        %dma_start3A_250 = tpu.memref_slice %arg11[%mul3A_2] : memref<100000xi32, #tpu.memory_space<hbm>> -> memref<2784xi32, #tpu.memory_space<hbm>>
        %dma_start3A_251 = tpu.memref_slice %arg11[%mul3A_2] : memref<100000xi32, #tpu.memory_space<hbm>> -> memref<2784xi32, #tpu.memory_space<hbm>>
        %dma_start3A_252 = arith.constant 0 : i32
        %dma_start3A_253 = tpu.memref_slice %arg22[%dma_start3A_252] : memref<3136xi32, #tpu.memory_space<vmem>> -> memref<2784xi32, #tpu.memory_space<vmem>>
        tpu.enqueue_dma source(%dma_start3A_253 : memref<2784xi32, #tpu.memory_space<vmem>>) target(%dma_start3A_251 : memref<2784xi32, #tpu.memory_space<hbm>>) target_semaphore(%run_scoped3A : memref<!tpu.dma_semaphore, #tpu.memory_space<semaphore_mem>>)
        %dma_wait3A = arith.constant 0 : i32
        %dma_wait3A_254 = tpu.memref_slice %arg22[%dma_wait3A] : memref<3136xi32, #tpu.memory_space<vmem>> -> memref<2784xi32, #tpu.memory_space<vmem>>
        %dma_wait3A_255 = tpu.memref_slice %arg11[%mul3A_2] : memref<100000xi32, #tpu.memory_space<hbm>> -> memref<2784xi32, #tpu.memory_space<hbm>>
        %dma_wait3A_256 = tpu.memref_slice %arg11[%mul3A_2] : memref<100000xi32, #tpu.memory_space<hbm>> -> memref<2784xi32, #tpu.memory_space<hbm>>
        %dma_wait3A_257 = arith.constant 0 : i32
        %dma_wait3A_258 = tpu.memref_slice %arg22[%dma_wait3A_257] : memref<3136xi32, #tpu.memory_space<vmem>> -> memref<2784xi32, #tpu.memory_space<vmem>>
        tpu.wait_dma2 semaphore(%run_scoped3A : memref<!tpu.dma_semaphore, #tpu.memory_space<semaphore_mem>>) src(%dma_wait3A_258 : memref<2784xi32, #tpu.memory_space<vmem>>) dst(%dma_wait3A_256 : memref<2784xi32, #tpu.memory_space<hbm>>)
        tpu.yield
      }) : () -> ()
    } else {
    }
    %jit3A_176 = arith.constant 16 : i32
    %div3A_177 = arith.divsi %select_n3A, %jit3A_176 : i32
    %sign3A_178 = arith.constant 0 : i32
    %sign3A_179 = arith.cmpi sgt, %select_n3A, %sign3A_178 : i32
    %sign3A_180 = arith.extui %sign3A_179 : i1 to i32
    %sign3A_181 = arith.constant 0 : i32
    %sign3A_182 = arith.cmpi slt, %select_n3A, %sign3A_181 : i32
    %sign3A_183 = arith.extui %sign3A_182 : i1 to i32
    %sign3A_184 = arith.subi %sign3A_180, %sign3A_183 : i32
    %sign3A_185 = arith.constant 0 : i32
    %sign3A_186 = arith.cmpi sgt, %jit3A_176, %sign3A_185 : i32
    %sign3A_187 = arith.extui %sign3A_186 : i1 to i32
    %sign3A_188 = arith.constant 0 : i32
    %sign3A_189 = arith.cmpi slt, %jit3A_176, %sign3A_188 : i32
    %sign3A_190 = arith.extui %sign3A_189 : i1 to i32
    %sign3A_191 = arith.subi %sign3A_187, %sign3A_190 : i32
    %ne3A_192 = arith.cmpi ne, %sign3A_184, %sign3A_191 : i32
    %rem3A_193 = arith.remsi %select_n3A, %jit3A_176 : i32
    %ne3A_194 = arith.constant 0 : i32
    %ne3A_195 = arith.cmpi ne, %rem3A_193, %ne3A_194 : i32
    %and3A_196 = arith.andi %ne3A_192, %ne3A_195 : i1
    %sub3A_197 = arith.constant 1 : i32
    %sub3A_198 = arith.subi %div3A_177, %sub3A_197 : i32
    %select_n3A_199 = arith.select %and3A_196, %sub3A_198, %div3A_177 : i32
    %while3A_200 = arith.constant 0 : i32
    %while3A_201 = arith.constant 0 : i32
    %while3A_202 = arith.subi %select_n3A_199, %while3A_200 : i32
    %while3A_203 = arith.addi %while3A_200, %while3A_202 : i32
    %while3A_204 = arith.constant 1 : i32
    %while3A_205 = arith.divsi %while3A_202, %while3A_204 : i32
    %while3A_206 = arith.muli %while3A_205, %while3A_204 : i32
    %while3A_207 = arith.addi %while3A_200, %while3A_206 : i32
    %while3A_208 = arith.constant 1 : i32
    %while3A_209 = scf.for %while3A_248 = %while3A_200 to %while3A_207 step %while3A_208 iter_args(%while3A_249 = %while3A_201) -> (i32)  : i32 {
      %mul3A_250 = arith.constant 16 : i32
      %mul3A_251 = arith.muli %while3A_248, %mul3A_250 : i32
      %get3A = arith.index_cast %mul3A_251 : i32 to index
      %get3A_252 = tpu.vector_load %arg13[%get3A] {strides = array<i32>} : memref<3136xi32, #tpu.memory_space<vmem>>, vector<16xi32>,
      %ge3A = arith.constant 0 : i32
      %ge3A_253 = vector.broadcast %ge3A : i32 to vector<16xi32>
      %ge3A_254 = arith.cmpi sge, %get3A_252, %ge3A_253 : vector<16xi32>
      %mul3A_255 = arith.constant 16 : i32
      %mul3A_256 = arith.muli %while3A_248, %mul3A_255 : i32
      %add3A_257 = arith.addi %mul3A_2, %mul3A_256 : i32
      %add3A_258 = vector.broadcast %add3A_257 : i32 to vector<16xi32>
      %add3A_259 = arith.addi %add3A_258, %iota3A : vector<16xi32>
      %swap3A = arith.index_cast %while3A_249 : i32 to index
      %swap3A_260 = tpu.vector_load %arg14[%swap3A] masked %ge3A_254 {strides = array<i32>} : memref<3152xi32, #tpu.memory_space<vmem>>, vector<16xi32>, vector<16xi1>
      tpu.vector_store %arg14[%swap3A], %add3A_259 masked %ge3A_254 {strides = array<i32>} : memref<3152xi32, #tpu.memory_space<vmem>>, vector<16xi32>, vector<16xi1>
      %swap3A_261 = arith.index_cast %while3A_249 : i32 to index
      %swap3A_262 = tpu.vector_load %arg15[%swap3A_261] masked %ge3A_254 {strides = array<i32>} : memref<3152xi32, #tpu.memory_space<vmem>>, vector<16xi32>, vector<16xi1>
      tpu.vector_store %arg15[%swap3A_261], %get3A_252 masked %ge3A_254 {strides = array<i32>} : memref<3152xi32, #tpu.memory_space<vmem>>, vector<16xi32>, vector<16xi1>
      %convert_element_type3A_263 = arith.extui %ge3A_254 : vector<16xi1> to vector<16xi32>
      %reduce_sum3A = arith.constant true
      %reduce_sum3A_264 = vector.broadcast %reduce_sum3A : i1 to vector<16xi1>
      %reduce_sum3A_265 = tpu.scan <sum>, %convert_element_type3A_263 masked %reduce_sum3A_264 : vector<16xi32>, vector<16xi1> -> vector<16xi32>
      %reduce_sum3A_266 = vector.extract %reduce_sum3A_265[15] : i32 from vector<16xi32>
      %add3A_267 = arith.addi %while3A_249, %reduce_sum3A_266 : i32
      scf.yield %add3A_267 : i32
    }
    %while3A_210 = arith.constant 1 : i32
    %while3A_211 = scf.for %while3A_248 = %while3A_207 to %while3A_203 step %while3A_210 iter_args(%while3A_249 = %while3A_209) -> (i32)  : i32 {
      %mul3A_250 = arith.constant 16 : i32
      %mul3A_251 = arith.muli %while3A_248, %mul3A_250 : i32
      %get3A = arith.index_cast %mul3A_251 : i32 to index
      %get3A_252 = tpu.vector_load %arg13[%get3A] {strides = array<i32>} : memref<3136xi32, #tpu.memory_space<vmem>>, vector<16xi32>,
      %ge3A = arith.constant 0 : i32
      %ge3A_253 = vector.broadcast %ge3A : i32 to vector<16xi32>
      %ge3A_254 = arith.cmpi sge, %get3A_252, %ge3A_253 : vector<16xi32>
      %mul3A_255 = arith.constant 16 : i32
      %mul3A_256 = arith.muli %while3A_248, %mul3A_255 : i32
      %add3A_257 = arith.addi %mul3A_2, %mul3A_256 : i32
      %add3A_258 = vector.broadcast %add3A_257 : i32 to vector<16xi32>
      %add3A_259 = arith.addi %add3A_258, %iota3A : vector<16xi32>
      %swap3A = arith.index_cast %while3A_249 : i32 to index
      %swap3A_260 = tpu.vector_load %arg14[%swap3A] masked %ge3A_254 {strides = array<i32>} : memref<3152xi32, #tpu.memory_space<vmem>>, vector<16xi32>, vector<16xi1>
      tpu.vector_store %arg14[%swap3A], %add3A_259 masked %ge3A_254 {strides = array<i32>} : memref<3152xi32, #tpu.memory_space<vmem>>, vector<16xi32>, vector<16xi1>
      %swap3A_261 = arith.index_cast %while3A_249 : i32 to index
      %swap3A_262 = tpu.vector_load %arg15[%swap3A_261] masked %ge3A_254 {strides = array<i32>} : memref<3152xi32, #tpu.memory_space<vmem>>, vector<16xi32>, vector<16xi1>
      tpu.vector_store %arg15[%swap3A_261], %get3A_252 masked %ge3A_254 {strides = array<i32>} : memref<3152xi32, #tpu.memory_space<vmem>>, vector<16xi32>, vector<16xi1>
      %convert_element_type3A_263 = arith.extui %ge3A_254 : vector<16xi1> to vector<16xi32>
      %reduce_sum3A = arith.constant true
      %reduce_sum3A_264 = vector.broadcast %reduce_sum3A : i1 to vector<16xi1>
      %reduce_sum3A_265 = tpu.scan <sum>, %convert_element_type3A_263 masked %reduce_sum3A_264 : vector<16xi32>, vector<16xi1> -> vector<16xi32>
      %reduce_sum3A_266 = vector.extract %reduce_sum3A_265[15] : i32 from vector<16xi32>
      %add3A_267 = arith.addi %while3A_249, %reduce_sum3A_266 : i32
      scf.yield %add3A_267 : i32
    }
    %add3A_212 = arith.constant 15 : i32
    %add3A_213 = arith.addi %while3A_211, %add3A_212 : i32
    %jit3A_214 = arith.constant 16 : i32
    %div3A_215 = arith.divsi %add3A_213, %jit3A_214 : i32
    %sign3A_216 = arith.constant 0 : i32
    %sign3A_217 = arith.cmpi sgt, %add3A_213, %sign3A_216 : i32
    %sign3A_218 = arith.extui %sign3A_217 : i1 to i32
    %sign3A_219 = arith.constant 0 : i32
    %sign3A_220 = arith.cmpi slt, %add3A_213, %sign3A_219 : i32
    %sign3A_221 = arith.extui %sign3A_220 : i1 to i32
    %sign3A_222 = arith.subi %sign3A_218, %sign3A_221 : i32
    %sign3A_223 = arith.constant 0 : i32
    %sign3A_224 = arith.cmpi sgt, %jit3A_214, %sign3A_223 : i32
    %sign3A_225 = arith.extui %sign3A_224 : i1 to i32
    %sign3A_226 = arith.constant 0 : i32
    %sign3A_227 = arith.cmpi slt, %jit3A_214, %sign3A_226 : i32
    %sign3A_228 = arith.extui %sign3A_227 : i1 to i32
    %sign3A_229 = arith.subi %sign3A_225, %sign3A_228 : i32
    %ne3A_230 = arith.cmpi ne, %sign3A_222, %sign3A_229 : i32
    %rem3A_231 = arith.remsi %add3A_213, %jit3A_214 : i32
    %ne3A_232 = arith.constant 0 : i32
    %ne3A_233 = arith.cmpi ne, %rem3A_231, %ne3A_232 : i32
    %and3A_234 = arith.andi %ne3A_230, %ne3A_233 : i1
    %sub3A_235 = arith.constant 1 : i32
    %sub3A_236 = arith.subi %div3A_215, %sub3A_235 : i32
    %select_n3A_237 = arith.select %and3A_234, %sub3A_236, %div3A_215 : i32
    %while3A_238 = arith.constant 0 : i32
    %while3A_239 = arith.constant 0 : i32
    %while3A_240 = arith.subi %select_n3A_237, %while3A_239 : i32
    %while3A_241 = arith.addi %while3A_239, %while3A_240 : i32
    %while3A_242 = arith.constant 1 : i32
    %while3A_243 = arith.divsi %while3A_240, %while3A_242 : i32
    %while3A_244 = arith.muli %while3A_243, %while3A_242 : i32
    %while3A_245 = arith.addi %while3A_239, %while3A_244 : i32
    %while3A_246 = arith.constant 1 : i32
    scf.for %while3A_248 = %while3A_239 to %while3A_245 step %while3A_246  : i32 {
      %mul3A_249 = arith.constant 16 : i32
      %mul3A_250 = arith.muli %while3A_248, %mul3A_249 : i32
      %get3A = arith.index_cast %mul3A_250 : i32 to index
      %get3A_251 = tpu.vector_load %arg14[%get3A] {strides = array<i32>} : memref<3152xi32, #tpu.memory_space<vmem>>, vector<16xi32>,
      %get3A_252 = arith.index_cast %mul3A_250 : i32 to index
      %get3A_253 = tpu.vector_load %arg15[%get3A_252] {strides = array<i32>} : memref<3152xi32, #tpu.memory_space<vmem>>, vector<16xi32>,
      %add3A_254 = vector.broadcast %mul3A_250 : i32 to vector<16xi32>
      %add3A_255 = arith.addi %add3A_254, %iota3A : vector<16xi32>
      %lt3A = vector.broadcast %while3A_211 : i32 to vector<16xi32>
      %lt3A_256 = arith.cmpi slt, %add3A_255, %lt3A : vector<16xi32>
      %add3A_257 = vector.broadcast %mul3A_250 : i32 to vector<16xi32>
      %add3A_258 = arith.addi %mul3A_8, %add3A_257 : vector<16xi32>
      %gather3A = tpu.vector_load_idx %arg14[%add3A_258] : memref<3152xi32, #tpu.memory_space<vmem>>[vector<16xi32>], vector<16xi32>,
      %select_n3A_259 = arith.select %lt3A_256, %get3A_251, %gather3A : vector<16xi1>, vector<16xi32>
      %add3A_260 = vector.broadcast %mul3A_250 : i32 to vector<16xi32>
      %add3A_261 = arith.addi %mul3A_8, %add3A_260 : vector<16xi32>
      %gather3A_262 = tpu.vector_load_idx %arg15[%add3A_261] : memref<3152xi32, #tpu.memory_space<vmem>>[vector<16xi32>], vector<16xi32>,
      %select_n3A_263 = arith.select %lt3A_256, %get3A_253, %gather3A_262 : vector<16xi1>, vector<16xi32>
      %dma_start3A_264 = arith.constant 0 : i32
      %dma_start3A_265 = arith.constant 0 : i32
      %dma_start3A_266 = tpu.memref_slice %arg4[%dma_start3A_264, %dma_start3A_265] : memref<16384x512xf32, #tpu.memory_space<hbm>> -> memref<16384x512xf32, #tpu.memory_space<hbm>>
      tpu.enqueue_indirect_dma source(%dma_start3A_266 : memref<16384x512xf32, #tpu.memory_space<hbm>>) target(%arg18 : memref<16x512xf32, #tpu.memory_space<vmem>>) offsets(%select_n3A_263 : vector<16xi32>) semaphore(%arg23 : memref<!tpu.dma_semaphore, #tpu.memory_space<semaphore_mem>>)
      %dma_wait3A = arith.constant 0 : i32
      %dma_wait3A_267 = arith.constant 0 : i32
      %dma_wait3A_268 = tpu.memref_slice %arg4[%dma_wait3A, %dma_wait3A_267] : memref<16384x512xf32, #tpu.memory_space<hbm>> -> memref<16384x512xf32, #tpu.memory_space<hbm>>
      tpu.wait_indirect_dma semaphore(%arg23 : memref<!tpu.dma_semaphore, #tpu.memory_space<semaphore_mem>>) src(%dma_wait3A_268 : memref<16384x512xf32, #tpu.memory_space<hbm>>) dst(%arg18 : memref<16x512xf32, #tpu.memory_space<vmem>>)
      %dma_start3A_269 = arith.constant 0 : i32
      %dma_start3A_270 = arith.constant 0 : i32
      %dma_start3A_271 = tpu.memref_slice %arg10[%dma_start3A_269, %dma_start3A_270] : memref<100000x512xf32, #tpu.memory_space<hbm>> -> memref<100000x512xf32, #tpu.memory_space<hbm>>
      tpu.enqueue_indirect_dma source(%arg18 : memref<16x512xf32, #tpu.memory_space<vmem>>) target(%dma_start3A_271 : memref<100000x512xf32, #tpu.memory_space<hbm>>) offsets(%select_n3A_259 : vector<16xi32>) semaphore(%arg24 : memref<!tpu.dma_semaphore, #tpu.memory_space<semaphore_mem>>)
      %dma_wait3A_272 = arith.constant 0 : i32
      %dma_wait3A_273 = arith.constant 0 : i32
      %dma_wait3A_274 = tpu.memref_slice %arg10[%dma_wait3A_272, %dma_wait3A_273] : memref<100000x512xf32, #tpu.memory_space<hbm>> -> memref<100000x512xf32, #tpu.memory_space<hbm>>
      tpu.wait_indirect_dma semaphore(%arg24 : memref<!tpu.dma_semaphore, #tpu.memory_space<semaphore_mem>>) src(%arg18 : memref<16x512xf32, #tpu.memory_space<vmem>>) dst(%dma_wait3A_274 : memref<100000x512xf32, #tpu.memory_space<hbm>>)
      %dma_start3A_275 = arith.constant 0 : i32
      %dma_start3A_276 = tpu.memref_slice %arg5[%dma_start3A_275] : memref<16384xi32, #tpu.memory_space<hbm>> -> memref<16384xi32, #tpu.memory_space<hbm>>
      tpu.enqueue_indirect_dma source(%dma_start3A_276 : memref<16384xi32, #tpu.memory_space<hbm>>) target(%arg19 : memref<16xi32, #tpu.memory_space<vmem>>) offsets(%select_n3A_263 : vector<16xi32>) semaphore(%arg23 : memref<!tpu.dma_semaphore, #tpu.memory_space<semaphore_mem>>)
      %dma_wait3A_277 = arith.constant 0 : i32
      %dma_wait3A_278 = tpu.memref_slice %arg5[%dma_wait3A_277] : memref<16384xi32, #tpu.memory_space<hbm>> -> memref<16384xi32, #tpu.memory_space<hbm>>
      tpu.wait_indirect_dma semaphore(%arg23 : memref<!tpu.dma_semaphore, #tpu.memory_space<semaphore_mem>>) src(%dma_wait3A_278 : memref<16384xi32, #tpu.memory_space<hbm>>) dst(%arg19 : memref<16xi32, #tpu.memory_space<vmem>>)
      %dma_start3A_279 = arith.constant 0 : i32
      %dma_start3A_280 = tpu.memref_slice %arg11[%dma_start3A_279] : memref<100000xi32, #tpu.memory_space<hbm>> -> memref<100000xi32, #tpu.memory_space<hbm>>
      tpu.enqueue_indirect_dma source(%arg19 : memref<16xi32, #tpu.memory_space<vmem>>) target(%dma_start3A_280 : memref<100000xi32, #tpu.memory_space<hbm>>) offsets(%select_n3A_259 : vector<16xi32>) semaphore(%arg24 : memref<!tpu.dma_semaphore, #tpu.memory_space<semaphore_mem>>)
      %dma_wait3A_281 = arith.constant 0 : i32
      %dma_wait3A_282 = tpu.memref_slice %arg11[%dma_wait3A_281] : memref<100000xi32, #tpu.memory_space<hbm>> -> memref<100000xi32, #tpu.memory_space<hbm>>
      tpu.wait_indirect_dma semaphore(%arg24 : memref<!tpu.dma_semaphore, #tpu.memory_space<semaphore_mem>>) src(%arg19 : memref<16xi32, #tpu.memory_space<vmem>>) dst(%dma_wait3A_282 : memref<100000xi32, #tpu.memory_space<hbm>>)
    }
    %while3A_247 = arith.constant 1 : i32
    scf.for %while3A_248 = %while3A_245 to %while3A_241 step %while3A_247  : i32 {
      %mul3A_249 = arith.constant 16 : i32
      %mul3A_250 = arith.muli %while3A_248, %mul3A_249 : i32
      %get3A = arith.index_cast %mul3A_250 : i32 to index
      %get3A_251 = tpu.vector_load %arg14[%get3A] {strides = array<i32>} : memref<3152xi32, #tpu.memory_space<vmem>>, vector<16xi32>,
      %get3A_252 = arith.index_cast %mul3A_250 : i32 to index
      %get3A_253 = tpu.vector_load %arg15[%get3A_252] {strides = array<i32>} : memref<3152xi32, #tpu.memory_space<vmem>>, vector<16xi32>,
      %add3A_254 = vector.broadcast %mul3A_250 : i32 to vector<16xi32>
      %add3A_255 = arith.addi %add3A_254, %iota3A : vector<16xi32>
      %lt3A = vector.broadcast %while3A_211 : i32 to vector<16xi32>
      %lt3A_256 = arith.cmpi slt, %add3A_255, %lt3A : vector<16xi32>
      %add3A_257 = vector.broadcast %mul3A_250 : i32 to vector<16xi32>
      %add3A_258 = arith.addi %mul3A_8, %add3A_257 : vector<16xi32>
      %gather3A = tpu.vector_load_idx %arg14[%add3A_258] : memref<3152xi32, #tpu.memory_space<vmem>>[vector<16xi32>], vector<16xi32>,
      %select_n3A_259 = arith.select %lt3A_256, %get3A_251, %gather3A : vector<16xi1>, vector<16xi32>
      %add3A_260 = vector.broadcast %mul3A_250 : i32 to vector<16xi32>
      %add3A_261 = arith.addi %mul3A_8, %add3A_260 : vector<16xi32>
      %gather3A_262 = tpu.vector_load_idx %arg15[%add3A_261] : memref<3152xi32, #tpu.memory_space<vmem>>[vector<16xi32>], vector<16xi32>,
      %select_n3A_263 = arith.select %lt3A_256, %get3A_253, %gather3A_262 : vector<16xi1>, vector<16xi32>
      %dma_start3A_264 = arith.constant 0 : i32
      %dma_start3A_265 = arith.constant 0 : i32
      %dma_start3A_266 = tpu.memref_slice %arg4[%dma_start3A_264, %dma_start3A_265] : memref<16384x512xf32, #tpu.memory_space<hbm>> -> memref<16384x512xf32, #tpu.memory_space<hbm>>
      tpu.enqueue_indirect_dma source(%dma_start3A_266 : memref<16384x512xf32, #tpu.memory_space<hbm>>) target(%arg18 : memref<16x512xf32, #tpu.memory_space<vmem>>) offsets(%select_n3A_263 : vector<16xi32>) semaphore(%arg23 : memref<!tpu.dma_semaphore, #tpu.memory_space<semaphore_mem>>)
      %dma_wait3A = arith.constant 0 : i32
      %dma_wait3A_267 = arith.constant 0 : i32
      %dma_wait3A_268 = tpu.memref_slice %arg4[%dma_wait3A, %dma_wait3A_267] : memref<16384x512xf32, #tpu.memory_space<hbm>> -> memref<16384x512xf32, #tpu.memory_space<hbm>>
      tpu.wait_indirect_dma semaphore(%arg23 : memref<!tpu.dma_semaphore, #tpu.memory_space<semaphore_mem>>) src(%dma_wait3A_268 : memref<16384x512xf32, #tpu.memory_space<hbm>>) dst(%arg18 : memref<16x512xf32, #tpu.memory_space<vmem>>)
      %dma_start3A_269 = arith.constant 0 : i32
      %dma_start3A_270 = arith.constant 0 : i32
      %dma_start3A_271 = tpu.memref_slice %arg10[%dma_start3A_269, %dma_start3A_270] : memref<100000x512xf32, #tpu.memory_space<hbm>> -> memref<100000x512xf32, #tpu.memory_space<hbm>>
      tpu.enqueue_indirect_dma source(%arg18 : memref<16x512xf32, #tpu.memory_space<vmem>>) target(%dma_start3A_271 : memref<100000x512xf32, #tpu.memory_space<hbm>>) offsets(%select_n3A_259 : vector<16xi32>) semaphore(%arg24 : memref<!tpu.dma_semaphore, #tpu.memory_space<semaphore_mem>>)
      %dma_wait3A_272 = arith.constant 0 : i32
      %dma_wait3A_273 = arith.constant 0 : i32
      %dma_wait3A_274 = tpu.memref_slice %arg10[%dma_wait3A_272, %dma_wait3A_273] : memref<100000x512xf32, #tpu.memory_space<hbm>> -> memref<100000x512xf32, #tpu.memory_space<hbm>>
      tpu.wait_indirect_dma semaphore(%arg24 : memref<!tpu.dma_semaphore, #tpu.memory_space<semaphore_mem>>) src(%arg18 : memref<16x512xf32, #tpu.memory_space<vmem>>) dst(%dma_wait3A_274 : memref<100000x512xf32, #tpu.memory_space<hbm>>)
      %dma_start3A_275 = arith.constant 0 : i32
      %dma_start3A_276 = tpu.memref_slice %arg5[%dma_start3A_275] : memref<16384xi32, #tpu.memory_space<hbm>> -> memref<16384xi32, #tpu.memory_space<hbm>>
      tpu.enqueue_indirect_dma source(%dma_start3A_276 : memref<16384xi32, #tpu.memory_space<hbm>>) target(%arg19 : memref<16xi32, #tpu.memory_space<vmem>>) offsets(%select_n3A_263 : vector<16xi32>) semaphore(%arg23 : memref<!tpu.dma_semaphore, #tpu.memory_space<semaphore_mem>>)
      %dma_wait3A_277 = arith.constant 0 : i32
      %dma_wait3A_278 = tpu.memref_slice %arg5[%dma_wait3A_277] : memref<16384xi32, #tpu.memory_space<hbm>> -> memref<16384xi32, #tpu.memory_space<hbm>>
      tpu.wait_indirect_dma semaphore(%arg23 : memref<!tpu.dma_semaphore, #tpu.memory_space<semaphore_mem>>) src(%dma_wait3A_278 : memref<16384xi32, #tpu.memory_space<hbm>>) dst(%arg19 : memref<16xi32, #tpu.memory_space<vmem>>)
      %dma_start3A_279 = arith.constant 0 : i32
      %dma_start3A_280 = tpu.memref_slice %arg11[%dma_start3A_279] : memref<100000xi32, #tpu.memory_space<hbm>> -> memref<100000xi32, #tpu.memory_space<hbm>>
      tpu.enqueue_indirect_dma source(%arg19 : memref<16xi32, #tpu.memory_space<vmem>>) target(%dma_start3A_280 : memref<100000xi32, #tpu.memory_space<hbm>>) offsets(%select_n3A_259 : vector<16xi32>) semaphore(%arg24 : memref<!tpu.dma_semaphore, #tpu.memory_space<semaphore_mem>>)
      %dma_wait3A_281 = arith.constant 0 : i32
      %dma_wait3A_282 = tpu.memref_slice %arg11[%dma_wait3A_281] : memref<100000xi32, #tpu.memory_space<hbm>> -> memref<100000xi32, #tpu.memory_space<hbm>>
      tpu.wait_indirect_dma semaphore(%arg24 : memref<!tpu.dma_semaphore, #tpu.memory_space<semaphore_mem>>) src(%arg19 : memref<16xi32, #tpu.memory_space<vmem>>) dst(%dma_wait3A_282 : memref<100000xi32, #tpu.memory_space<hbm>>)
    }
    return
  }
}

</mosaic_0001>

<sc_bundles>
// kernel: kernel.3.cloned.1.call-start
scs
__scs_entry_jumppad:
0x0: {  	(pc) =	sbr.rel $0x88, $3  }
0x1: {  	(tag) =	ssettag $0x0;
	lr =	simm.s32 $0x1  }
0x2: {  	[smem:$0x3F9B] =	sst lr;
	_ =	strace $0xD0000000  }
0x3: {  	_ = 	snop  }
0x4: {  	_ = 	snop  }
0x5: {  	_ = 	snop  }
0x6: {  	_ = 	snop  }
0x7: {  	_ = 	snop  }
__scs_overlays_trampoline_lowered:
0x8: {  	[smem:$0x3FAA] =	sst s0  }
0x9: {  	[smem:$0x3FAB] =	sst s1  }
0xa: {  	[smem:$0x3FAC] =	sst s2  }
0xb: {  	[smem:$0x3FAD] =	sst s3  }
0xc: {  	[smem:$0x3FAE] =	sst s4  }
0xd: {  	[smem:$0x3FAF] =	sst s5  }
0xe: {  	[smem:$0x3FB0] =	sst s6  }
0xf: {  	[smem:$0x3FB1] =	sst s7  }
0x10: {  	[smem:$0x3FB2] =	sst s8  }
0x11: {  	[smem:$0x3FB3] =	sst s9;
	s0 =	simm.s32 @!p0 $0x0  }
0x12: {  	s1 =	sld [smem:$0x3F99];
	s0 =	simm.s32 @p0 $0x1  }
0x13: {  	[smem:$0x3FB4] =	sst s0;
	s0 =	simm.s32 @!p1 $0x0  }
0x14: {  	s2 =	sld [smem:$0x3F98];
	s0 =	simm.s32 @p1 $0x1  }
0x15: {  	[smem:$0x3FB5] =	sst s0;
	s0 =	simm.s32 @!p2 $0x0  }
0x16: {  	s3 =	sld [smem:$0x3FDB];
	s0 =	simm.s32 @p2 $0x1  }
0x17: {  	s4 =	simm.s32 $0x1BF5;
	[smem:$0x3FB7] =	sst s0  }
0x18: {  	s0 =	sld [smem:$0x3F9A];
	_ =	swait.ge [sflag:s4], $0x0  }
0x19: {  	s7 =	sld [smem:$0x3F9B]  }
0x1a: {  	s8 =	sadd.s32 $0xFFFFE003, lr  }
0x1b: {  	s9 =	sadd.s32 $0xFFFFFEF7, lr;
	s5 =	simm.s32 $0xFFFFFFFF;
	p2 =	slt.u32 s8, $0xFFFFF086  }
0x1c: {  	p1 =	slt.u32 s9, $0xF7A;
	s5 =	simm.s32 @!p2 $0x0  }
0x1d: {  	s5 =	simm.s32 @p1 $0x1;
	p0 =	seq.s32 s7, s2  }
0x1e: {  	s7 =	smul.u32 @!p0 $0xF7A, s2;
	p2 =	seq.s32 @!p0 s5, $0x0  }
0x1f: {  	s9 =	smul.u32 $0xF7A, s1;
	s8 =	simm.s32 @!p0 $0x1BF5;
	p2 =	por !p2, p0  }
0x20: {  	[sflag:s8] =	ssyncset.s32 @!p0 $0xFFFFF086;
	s6 =	sadd.s32 @!p0 s3, s7;
	s7 =	simm.s32 @!p0 $0x108  }
0x21: {  	s3 =	sadd.s32 s3, s9;
	s6 =	sadd.s32 @!p0 $0x88, s6;
	s7 =	simm.s32 @p2 $0x1082  }
0x22: {  	[simem:s7], [sflag:s8] =	dma.local @!p0 [hbm:s6], $0xF7A  }
0x23: {  	s9 =	sor.u32 $0xD0000000, s2;
	s6 =	simm.s32 $0x108;
	_ =	swait.ge @!p0 [sflag:s8], $0x0  }
0x24: {  	s3 =	sadd.s32 $0x88, s3;
	s6 =	simm.s32 @!p1 $0x1082;
	[sflag:s4] =	ssyncset.s32 $0xFFFFF086  }
0x25: {  	[simem:s6], [sflag:s4] =	dma.local [hbm:s3], $0xF7A  }
0x26: {  	[smem:$0x3F9B] =	sst s1;
	(tag) =	ssettag s2;
	_ =	strace s9  }
0x27: {  	s1 =	sld [smem:$0x3FAB]  }
0x28: {  	s2 =	sld [smem:$0x3FAC]  }
0x29: {  	s4 =	sld [smem:$0x3FAE]  }
0x2a: {  	p0 =	seq.s32 s5, $0x0;
	s5 =	sld [smem:$0x3FAF]  }
0x2b: {  	s6 =	sld [smem:$0x3FB0]  }
0x2c: {  	s7 =	sld [smem:$0x3FB1]  }
0x2d: {  	s3 =	simm.s32 $0x108;
	s8 =	sld [smem:$0x3FB2]  }
0x2e: {  	s3 =	simm.s32 @!p0 $0x1082;
	s9 =	sld [smem:$0x3FB3]  }
0x2f: {  	lr =	sadd.s32 s0, s3;
	s0 =	sld [smem:$0x3FAA]  }
0x30: {  	s3 =	sld [smem:$0x3FAD]  }
0x31: {  	[smem:$0x3FB6] =	sst s10  }
0x32: {  	s10 =	sld [smem:$0x3FB4];
	_ =	sdelay $0x3  }
0x33: {  	p0 =	seq.s32 s10, $0x1;
	s10 =	sld [smem:$0x3FB6];
	_ =	sdelay $0x3  }
0x34: {  	[smem:$0x3FB6] =	sst s10  }
0x35: {  	s10 =	sld [smem:$0x3FB5];
	_ =	sdelay $0x3  }
0x36: {  	p1 =	seq.s32 s10, $0x1;
	s10 =	sld [smem:$0x3FB6];
	_ =	sdelay $0x3  }
0x37: {  	[smem:$0x3FB6] =	sst s10  }
0x38: {  	s10 =	sld [smem:$0x3FB7]  }
0x39: {  	_ = 	snop;
	(pc) =	sbr.ind lr, $3  }
0x3a: {  	_ = 	snop  }
0x3b: {  	_ = 	snop  }
0x3c: {  	p2 =	seq.s32 s10, $0x1;
	s10 =	sld [smem:$0x3FB6]  }
0x3d: {  	_ =	shalt  }
0x3e: {  	_ =	shalt  }
0x3f: {  	_ =	shalt  }
0x40: {  	_ =	shalt  }
0x41: {  	_ =	shalt  }
0x42: {  	_ =	shalt  }
0x43: {  	_ =	shalt  }
0x44: {  	_ =	shalt  }
0x45: {  	_ =	shalt  }
0x46: {  	_ =	shalt  }
0x47: {  	_ =	shalt  }
0x48: {  	_ =	shalt  }
0x49: {  	_ =	shalt  }
0x4a: {  	_ =	shalt  }
0x4b: {  	_ =	shalt  }
0x4c: {  	_ =	shalt  }
0x4d: {  	_ =	shalt  }
0x4e: {  	_ =	shalt  }
0x4f: {  	_ =	shalt  }
0x50: {  	_ =	shalt  }
0x51: {  	_ =	shalt  }
0x52: {  	_ =	shalt  }
0x53: {  	_ =	shalt  }
0x54: {  	_ =	shalt  }
0x55: {  	_ =	shalt  }
0x56: {  	_ =	shalt  }
0x57: {  	_ =	shalt  }
0x58: {  	_ =	shalt  }
0x59: {  	_ =	shalt  }
0x5a: {  	_ =	shalt  }
0x5b: {  	_ =	shalt  }
0x5c: {  	_ =	shalt  }
0x5d: {  	_ =	shalt  }
0x5e: {  	_ =	shalt  }
0x5f: {  	_ =	shalt  }
0x60: {  	_ =	shalt  }
0x61: {  	_ =	shalt  }
0x62: {  	_ =	shalt  }
0x63: {  	_ =	shalt  }
0x64: {  	_ =	shalt  }
0x65: {  	_ =	shalt  }
0x66: {  	_ =	shalt  }
0x67: {  	_ =	shalt  }
0x68: {  	_ =	shalt  }
0x69: {  	_ =	shalt  }
0x6a: {  	_ =	shalt  }
0x6b: {  	_ =	shalt  }
0x6c: {  	_ =	shalt  }
0x6d: {  	_ =	shalt  }
0x6e: {  	_ =	shalt  }
0x6f: {  	_ =	shalt  }
0x70: {  	_ =	shalt  }
0x71: {  	_ =	shalt  }
0x72: {  	_ =	shalt  }
0x73: {  	_ =	shalt  }
0x74: {  	_ =	shalt  }
0x75: {  	_ =	shalt  }
0x76: {  	_ =	shalt  }
0x77: {  	_ =	shalt  }
0x78: {  	_ =	shalt  }
0x79: {  	_ =	shalt  }
0x7a: {  	_ =	shalt  }
0x7b: {  	_ =	shalt  }
0x7c: {  	_ =	shalt  }
0x7d: {  	_ =	shalt  }
0x7e: {  	_ =	shalt  }
0x7f: {  	_ =	shalt  }
0x80: {  	_ =	shalt  }
0x81: {  	_ =	shalt  }
0x82: {  	_ =	shalt  }
0x83: {  	_ =	shalt  }
0x84: {  	_ =	shalt  }
0x85: {  	_ =	shalt  }
0x86: {  	_ =	shalt  }
0x87: {  	_ =	shalt  }
.Lfunc_end0:
.L_simem_size_0:
called_computation_lowered:
.L_overlay_start_0:
0x88: {  	s2 =	sld [smem:$0x3FD9]  }
0x89: {  	s3 =	sld [smem:$0x3FFE];
	_ =	sdelay $0x1  }
0x8a: {  	s1 =	srdreg.scid  }
0x8b: {  	s0 =	sand.u32 $0x1, s1  }
0x8c: {  	s30 =	sshll.u32 s0, $0xA;
	s2 =	sadd.s32 s3, s2  }
0x8d: {  	s2 =	sadd.s32 s2, s30  }
0x8e: {  	[smem:$0x3FC2] =	sst s2  }
0x8f: {  	_ = 	snop  }
0x90: {  	s2 =	sld [smem:$0x3FC9]  }
0x91: {  	s31 =	sld [smem:$0x3FC8]  }
0x92: {  	s4 =	sld [smem:$0x3FC7]  }
0x93: {  	s5 =	sld [smem:$0x3FD0]  }
0x94: {  	s6 =	sld [smem:$0x3FC6]  }
0x95: {  	s7 =	sld [smem:$0x3FC5]  }
0x96: {  	s9 =	simm.s32 $0xA;
	s10 =	simm.s32 $0x10;
	s8 =	sld [smem:$0x3FC4]  }
0x97: {  	[smem:s10], [sflag:s9] =	dma.local [hbm:s5], $0x1  }
0x98: {  	_ =	swait.eq [sflag:s9], $0x1  }
0x99: {  	s17 =	sld [smem:$0x10]  }
0x9a: {  	s18 =	sld [smem:$0x11];
	[sflag:s9] =	ssyncset.done $0x0  }
0x9b: {  	s11 =	sld [smem:$0x12];
	[sflag:s9] =	ssyncadd.s32 $0xFFFFFFFF  }
0x9c: {  	s19 =	sld [smem:$0x13];
	(tm) =	ssettm $0x1  }
0x9d: {  	s12 =	sld [smem:$0x3FFB];
	_ =	sdelay $0x3  }
0x9e: {  	_ =	strace s12  }
0x9f: {  	s12 =	sld [smem:$0x3FFC];
	_ =	sdelay $0x3  }
0xa0: {  	_ =	strace s12  }
0xa1: {  	s12 =	sld [smem:$0x3FFD];
	_ =	sdelay $0x3  }
0xa2: {  	_ =	strace s12  }
0xa3: {  	_ =	strace $0x8FFFFFFF  }
0xa4: {  	s20 =	sld [smem:$0x3FDB];
	_ =	sdelay $0x1  }
0xa5: {  	s13 =	simm.s32 $_scs_section_size  }
0xa6: {  	s14 =	simm.s32 $_size__tile_overlayer_lowered;
	s15 =	simm.s32 $_tile_overlayer_lowered  }
0xa7: {  	s23 =	simm.s32 $0x1BFF;
	s22 =	sshll.u32 s15, $0x1;
	s12 =	sadd.s32 s13, s20  }
0xa8: {  	s16 =	simm.s32 $0x0;
	s21 =	sshll.u32 s14, $0x1;
	s14 =	sadd.s32 s22, s12  }
0xa9: {  	[timem:s16], [sflag:s23] =	dma.local [hbm:s14], s21  }
0xaa: {  	_ =	swait.ge [sflag:s23], s21  }
0xab: {  	s13 =	ssub.s32 $0x0, s21;
	[sflag:s23] =	ssyncset.done $0x0  }
0xac: {  	[sflag:s23] =	ssyncadd.s32 s13;
	_ =	sdelay $0x1  }
0xad: {  	s24 =	simm.s32 $0x1B8B  }
0xae: {  	_ =	swait.ge [sflag:s24], $0x1  }
0xaf: {  	[sflag:s24] =	ssyncset.done $0x0  }
0xb0: {  	s25 =	simm.s32 $0x1B8E;
	[sflag:s24] =	ssyncadd.s32 $0xFFFFFFFF  }
0xb1: {  	s26 =	simm.s32 $execute0_lowered;
	[smem:$0x3FD2] =	sst s25  }
0xb2: {  	s13 =	sshll.u32 s26, $0x1;
	_ =	strace $0x80000046;
	[dreg:$0x1] =	wrdreg $0xFFFFFFFF  }
0xb3: {  	s28 =	simm.s32 $_size_execute0_lowered;
	s12 =	sadd.s32 s12, s13;
	[dreg:$0x0] =	wrdreg $0x0  }
0xb4: {  	s13 =	sshll.u32 s28, $0x1;
	[dreg:$0x2] =	wrdreg s12  }
0xb5: {  	[dreg:$0x3] =	wrdreg s13  }
0xb6: {  	[dreg:$0x4] =	wrdreg $0xC0  }
0xb7: {  	_ =	task [dreg:s16], $0x5FFFF  }
0xb8: {  	[dreg:$0x1] =	wrdreg $0xFFFFFFFF  }
0xb9: {  	[dreg:$0x0] =	wrdreg $0x60  }
0xba: {  	[dreg:$0x2] =	wrdreg s2  }
0xbb: {  	[dreg:$0x3] =	wrdreg s31  }
0xbc: {  	[dreg:$0x4] =	wrdreg s4  }
0xbd: {  	[dreg:$0x5] =	wrdreg s6  }
0xbe: {  	[dreg:$0x6] =	wrdreg s7  }
0xbf: {  	[dreg:$0x7] =	wrdreg s8  }
0xc0: {  	[dreg:$0x8] =	wrdreg s17  }
0xc1: {  	[dreg:$0x9] =	wrdreg s18  }
0xc2: {  	[dreg:$0xa] =	wrdreg s11  }
0xc3: {  	[dreg:$0xb] =	wrdreg s19  }
0xc4: {  	[dreg:$0xc] =	wrdreg $0x9  }
0xc5: {  	_ =	task.clear_ibuf [dreg:s16], $0xDFFFF;
	_ =	strace $0x90000046  }
0xc6: {  	s29 =	simm.s32 $0x9;
	_ =	strace $0x80000048  }
0xc7: {  	_ =	swait.ge [sflag:s29], $0x1  }
0xc8: {  	[sflag:s29] =	ssyncadd.s32 $0xFFFFFFFF  }
0xc9: {  	_ =	strace $0x90000048  }
0xca: {  	_ =	sfence  }
0xcb: {  	s30 =	sld [smem:$0x0];
	_ =	sdelay $0x2  }
0xcc: {  	s31 =	sshll.u32 s1, $0xD;
	s1 =	sshrl.u32 s1, $0x2  }
0xcd: {  	s3 =	sand.u32 $0x4000, s31;
	s1 =	sadd.s32 s1, s30  }
0xce: {  	s0 =	sor.u32 s3, s0;
	s1 =	sshll.u32 s1, $0x11  }
0xcf: {  	s0 =	sor.u32 s1, s0  }
0xd0: {  	s0 =	sadd.s32 $0x8F2B, s0  }
0xd1: {  	[sflag:s0] =	ssyncadd.remote.s32 $0x1  }
0xd2: {  	_ =	sfence.sel $0xFFFF  }
0xd3: {  	[dreg:$0x0] =	wrdreg $0xFFFFFFFF;
	(pc) =	sbr.abs _section_cstart, $3  }
0xd4: {  	[dreg:$0x1] =	wrdreg $0xFFFFFFFF  }
0xd5: {  	_ =	task.clear_ibuf [dreg:s16], $0x2FFFF;
	_ =	strace $0x9FFFFFFF  }
0xd6: {  	(tm) =	ssettm $0x7FFFFFFF  }
0xd7: {  	_ =	shalt  }
tec
execute0_lowered:
.L_overlay_start_1:
0x0: {  	(tag) =	ssettag $0x1  }
0x1: {  	s0 =	rddreg [dreg:$0x0]  }
0x2: {  	s10 =	rddreg [dreg:$0x1]  }
0x3: {  	s2 =	rddreg [dreg:$0x2]  }
0x4: {  	s19 =	rddreg [dreg:$0x6]  }
0x5: {  	s1 =	rddreg [dreg:$0x7]  }
0x6: {  	s9 =	rddreg [dreg:$0x8];
	s25 =	srdreg.scid  }
0x7: {  	s3 =	stileid.u32;
	s12 =	rddreg [dreg:$0x9];
	s11 =	simm.s32 $0x0  }
0x8: {  	s29 =	simm.s32 $0xFE80;
	s30 =	simm.s32 $0x2;
	s13 =	smul.u32 $0x310000, s3  }
0x9: {  	s31 =	simm.s32 $0x10680;
	[dreg:$0xb] =	wrdreg s1;
	s15 =	smul.u32 $0x62000, s3  }
0xa: {  	s1 =	sand.u32 $0x1, s25;
	s4 =	sshll.u32 s3, $0x1;
	s17 =	smul.u32 $0x1880, s3  }
0xb: {  	[smem:$0x7FF] =	sst s11;
	s4 =	sor.u32 s1, s4;
	s26 =	smul.u32 $0x188000, s1  }
0xc: {  	s5 =	ssub.s32 $0x2, s1;
	_ =	strace $0x80000047;
	s16 =	smul.u32 $0xC40, s1  }
0xd: {  	s7 =	sshrl.u32 s5, $0x1;
	s3 =	sadd.s32 s15, s0;
	s22 =	sadd.s32 s26, s13  }
0xe: {  	s5 =	ssub.s32 s5, s7;
	s7 =	sadd.s32 $0xC00, s3;
	[dreg:$0x10] =	wrdreg s22  }
0xf: {  	s6 =	smul.u32 $0xC40, s4;
	s13 =	sadd.s32 $0x100, s0;
	[dreg:$0x17] =	wrdreg s7  }
0x10: {  	s8 =	smul.u32 $0x31000, s4;
	s26 =	smax.u32 s5, $0x1;
	[dreg:$0x19] =	wrdreg s13  }
0x11: {  	p0 =	seq.s32 s4, $0x1F;
	s5 =	sadd.s32 s15, s9;
	[dreg:$0x13] =	wrdreg s26  }
0x12: {  	s4 =	simm.s32 $0xAE0;
	s18 =	sadd.s32 s0, s8;
	[dreg:$0x16] =	wrdreg s5  }
0x13: {  	s22 =	sadd.s32 $0x100, s19;
	s19 =	sadd.s32 $0x61A400, s9;
	[dreg:$0xe] =	wrdreg s18  }
0x14: {  	s4 =	simm.s32 @!p0 $0xC40;
	s3 =	simm.s32 $0xD;
	[dreg:$0x1c] =	wrdreg s19  }
0x15: {  	s14 =	sadd.s32 s6, s4;
	s25 =	sshrl.u32 s4, $0x6;
	[dreg:$0x1a] =	wrdreg s22  }
0x16: {  	s21 =	sshrl.u32 s6, $0x3;
	s20 =	sadd.s32 $0x400, s18;
	[smem:$0x7FD] =	sst s25  }
0x17: {  	s28 =	sshrl.u32 s4, $0x4;
	s23 =	sadd.s32 s10, s21;
	[dreg:$0xf] =	wrdreg s20  }
0x18: {  	s7 =	sadd.s32 $0x100, s9;
	s24 =	sadd.s32 s12, s21;
	[dreg:$0x11] =	wrdreg s23  }
0x19: {  	s15 =	simm.s32 $0x1;
	s8 =	sadd.s32 $0x800, s18;
	[dreg:$0x12] =	wrdreg s24  }
0x1a: {  	s20 =	sadd.s32 s16, s17;
	[dreg:$0x18] =	wrdreg s8;
	s17 =	sadd.s32 $0x61A000, s9  }
.Ltmp0:
0x1b: {  	s23 =	sadd.s32 $0x2F78, s10;
	[dreg:$0x1b] =	wrdreg s17;
	(pc) =	sbr.rel .LBB2_1-.Ltmp0, $4  }
0x1c: {  	v2 =	vimm.s32 $0xFFFFFFFF;
	v3 =	vlaneseq.u32;
	s21 =	smul.u32 $0x31000, s1;
	s24 =	sadd.s32 $0x2F78, s12;
	[dreg:$0x1d] =	wrdreg s23  }
0x1d: {  	v4 =	vimm.f32 $0.0e+00;
	v5 =	vimm.s32 $0x0;
	vm0 =	vmmov $0xffff;
	s26 =	sadd.s32 $0x100, s2;
	s5 =	simm.s32 $0x4000;
	[dreg:$0x1e] =	wrdreg s24  }
0x1e: {  	v7 =	vshrl.u32 v3, $0x3;
	v6 =	vand.u32 $0x7, v3;
	v8 =	vor.u32 $0x8, v3;
	s19 =	simm.s32 $0xE680;
	s1 =	simm.s32 $0x0;
	[dreg:$0x14] =	wrdreg s20  }
0x1f: {  	v7 =	vmul.u32 $0x8, v7;
	v0 =	vmov s6;
	v1 =	vmov s14;
	s16 =	simm.s32 $0xF680;
	s24 =	simm.s32 $0xEE80;
	[dreg:$0x15] =	wrdreg s21  }
.LBB2_18:
0x20: {  	s8 =	simm.s32 $0x4C80;
	s13 =	simm.s32 $0x5900  }
.LBB2_22:
0x21: {  	_ =	sdelay $0x2  }
0x22: {  	[sflag:s30] =	ssyncadd.s32 @p1 $0xFFFFFFF0;
	s0 =	sadd.s32 @p1 $0x10, s13  }
0x23: {  	v11 =	vld.idx.msk [tilespmem:v10+s12+$0x0], $0xffff;
	s4 =	smov.u32 @p1 s0  }
0x24: {  	v12 =	vld [tilespmem:s4+$0x0];
	_ =	sdelay $0x2  }
0x25: {  	v13 =	vor.u32 s6, v3  }
0x26: {  	vm1 =	vlt.s32 v13, v9  }
0x27: {  	v9 =	vsel vm1, v12, v11  }
0x28: {  	v11 =	vshll.u32 v9, $0x2  }
0x29: {  	v12 =	vand.u32 $0x7, v9;
	v11 =	vand.u32 $0xFFFFFFE0, v11  }
0x2a: {  	s0 =	sadd.s32 @p1 $0x10, s8;
	v11 =	vor.u32 v12, v11  }
0x2b: {  	v10 =	vld.idx.msk [tilespmem:v10+s23+$0x0], $0xffff;
	s1 =	smov.u32 @p1 s0;
	v12 =	vperm.xlane v11, v6  }
0x2c: {  	v62 =	vld [tilespmem:s1+$0x0]  }
0x2d: {  	v12 =	vadd.s32 v7, v12;
	_ =	sdelay $0x1  }
0x2e: {  	v11 =	vperm.xlane v11, v8;
	_ =	sdelay $0x1  }
0x2f: {  	v10 =	vsel vm1, v62, v10;
	v11 =	vadd.s32 v7, v11  }
0x30: {  	v13 =	vshll.u32 v10, $0x2;
	[tilespmem:s19], [sflag:$0x1] =	stream.indirect_vreg.gather [hbm4b:s2+s11], $0x80, v12, vm0, $0xb8;
	[tilespmem:$0x19580] =	vst v63  }
0x31: {  	v14 =	vand.u32 $0x7, v10;
	v13 =	vand.u32 $0xFFFFFFE0, v13  }
0x32: {  	v63 =	vor.u32 v14, v13;
	[tilespmem:s24], [sflag:$0x1] =	stream.indirect_vreg.gather [hbm4b:s26+s11], $0x80, v12, vm0, $0xb8;
	[tilespmem:$0x19580] =	vst v63  }
0x33: {  	v13 =	vperm.xlane v63, v6  }
0x34: {  	[tilespmem:s16], [sflag:$0x1] =	stream.indirect_vreg.gather [hbm4b:s2+s11], $0x80, v11, vm0, $0xb8;
	[tilespmem:$0x19580] =	vst v63  }
0x35: {  	v13 =	vadd.s32 v7, v13  }
0x36: {  	[tilespmem:s29], [sflag:$0x1] =	stream.indirect_vreg.gather [hbm4b:s26+s11], $0x80, v11, vm0, $0xb8;
	[tilespmem:$0x19580] =	vst v63  }
0x37: {  	v11 =	vperm.xlane v63, v8;
	_ =	swait.ge [sflag:s15], $0x2000  }
0x38: {  	[sflag:s15] =	ssyncset.done $0x0  }
0x39: {  	v11 =	vadd.s32 v7, v11;
	[sflag:s15] =	ssyncadd.s32 $0xFFFFE000  }
0x3a: {  	[hbm4b:s9+s11] =	stream.indirect_vreg.scatter [tilespmem:s19], [sflag:$0x2], $0x80, v13, vm0, $0xb8;
	[tilespmem:$0x19580] =	vst v63  }
0x3b: {  	_ = 	snop  }
0x3c: {  	[hbm4b:s7+s11] =	stream.indirect_vreg.scatter [tilespmem:s24], [sflag:$0x2], $0x80, v13, vm0, $0xb8;
	[tilespmem:$0x19580] =	vst v63  }
0x3d: {  	_ = 	snop  }
0x3e: {  	[hbm4b:s9+s11] =	stream.indirect_vreg.scatter [tilespmem:s16], [sflag:$0x2], $0x80, v11, vm0, $0xb8;
	[tilespmem:$0x19580] =	vst v63  }
0x3f: {  	_ = 	snop  }
0x40: {  	[hbm4b:s7+s11] =	stream.indirect_vreg.scatter [tilespmem:s29], [sflag:$0x2], $0x80, v11, vm0, $0xb8;
	[tilespmem:$0x19580] =	vst v63  }
0x41: {  	_ =	swait.ge [sflag:s30], $0x2000  }
0x42: {  	[sflag:s30] =	ssyncset.done $0x0  }
0x43: {  	[sflag:s30] =	ssyncadd.s32 $0xFFFFE000  }
0x44: {  	[tilespmem:s31], [sflag:$0x1] =	stream.indirect_vreg.gather [hbm4b:s3+s11], $0x1, v9, vm0, $0xb8;
	[tilespmem:$0x19580] =	vst v63  }
0x45: {  	_ =	swait.ge [sflag:s15], $0x10  }
0x46: {  	[sflag:s15] =	ssyncset.done $0x0  }
0x47: {  	[sflag:s15] =	ssyncadd.s32 $0xFFFFFFF0  }
0x48: {  	[hbm4b:s10+s11] =	stream.indirect_vreg.scatter [tilespmem:s31], [sflag:$0x2], $0x1, v10, vm0, $0xb8;
	[tilespmem:$0x19580] =	vst v63  }
0x49: {  	_ =	swait.ge [sflag:s30], $0x10  }
0x4a: {  	[sflag:s30] =	ssyncset.done $0x0  }
0x4b: {  	s1 =	rddreg [dreg:$0x1f];
	[sflag:s30] =	ssyncadd.s32 $0xFFFFFFF0  }
.LBB2_23:
0x4c: {  	s1 =	sadd.s32 $0x1, s1;
	s0 =	rddreg [dreg:$0x13]  }
0x4d: {  	p1 =	sne.s32 s1, s0  }
.Ltmp1:
0x4e: {  	_ = 	snop;
	(pc) =	sbr.rel @!p1 .LBB2_24-.Ltmp1, $2  }
0x4f: {  	_ =	sdelay $0x2  }
0x50: {  	s3 =	simm.s32 $0xD  }
.LBB2_1:
0x51: {  	[dreg:$0x1f] =	wrdreg s1  }
0x52: {  	s0 =	rddreg [dreg:$0x4]  }
0x53: {  	[tilespmem:s11], [sflag:$0xD] =	stream.linear.gather [hbm4b:s0+s11], $0x4000, $0x38;
	[tilespmem:$0x19580] =	vst v63  }
0x54: {  	_ =	swait.ge [sflag:s3], $0x4000  }
0x55: {  	[sflag:s3] =	ssyncset.done $0x0  }
0x56: {  	s1 =	simm.s32 $0x4020;
	[sflag:s3] =	ssyncadd.s32 $0xFFFFC000  }
0x57: {  	[tilespmem:s1+$0xFFFFFFE0] =	vst v2  }
0x58: {  	[tilespmem:s1+$0x10] =	vst v2  }
0x59: {  	s4 =	simm.s32 $0x0;
	[tilespmem:s1+$0x0] =	vst v2  }
.LBB2_2:
0x5a: {  	s4 =	sadd.s32 $0x4, s4  }
0x5b: {  	[tilespmem:s1+$0xFFFFFFF0] =	vst v2;
	s1 =	sadd.s32 $0x40, s1;
	p1 =	slt.u32 s4, $0xC0  }
.Ltmp2:
0x5c: {  	[tilespmem:s1+$0xFFFFFFE0] =	vst v2;
	(pc) =	sbr.rel @p1 .LBB2_2-.Ltmp2, $3  }
0x5d: {  	_ =	sdelay $0x1  }
0x5e: {  	[tilespmem:s1+$0x10] =	vst v2  }
0x5f: {  	[tilespmem:s1+$0x0] =	vst v2  }
.Ltmp3:
0x60: {  	(pc) =	sbr.rel .LBB2_4-.Ltmp3, $2  }
0x61: {  	_ =	sdelay $0x2  }
0x62: {  	[tilespmem:s1+$0xFFFFFFF0] =	vst v2;
	s1 =	simm.s32 $0x0  }
.LBB2_6:
0x63: {  	s1 =	sadd.s32 $0x1, s1  }
0x64: {  	p1 =	sne.s32 s1, $0x400  }
.Ltmp4:
0x65: {  	_ = 	snop;
	(pc) =	sbr.rel @!p1 .LBB2_7-.Ltmp4, $1  }
0x66: {  	_ =	sdelay $0x3  }
.LBB2_4:
0x67: {  	s4 =	sshll.u32 s1, $0x4  }
0x68: {  	v9 =	vld [tilespmem:s4+$0x0];
	_ =	sdelay $0x4  }
0x69: {  	v10 =	vsub.s32 v9, v0  }
0x6a: {  	vm1 =	vge.s32 v9, v0;
	vm2 =	vlt.s32 v9, v1;
	vm3 =	vgt.s32 v10, $0x0  }
0x6b: {  	vm1 =	vmand vm1, vm2;
	v9 =	vnsel vm3, $0x0, v10  }
0x6c: {  	v9 =	vmin.u32 v9, $0xC3F;
	_ =	sdelay $0x3  }
0x6d: {  	v10 =	vor.u32 s4, v3  }
0x6e: {  	[tilespmem:v9+s5+$0x0] =	vst.idx.msk vm1, v10  }
0x6f: {  	v11 =	vld.idx.msk [tilespmem:v9+s5+$0x0], $0xffff;
	_ =	sdelay $0x4  }
0x70: {  	vm2 =	vlt.s32 v11, v10  }
0x71: {  	vm2 =	vmand vm1, vm2  }
0x72: {  	v11 =	vsel vm2, $0x3F800000, v4  }
0x73: {  	(xrf0) =	vmax.scan.msk.f32 $0xffff, v11;
	_ =	sdelay $0x5  }
0x74: {  	v11, _, _ =	vpop (xrf0)  }
0x75: {  	(v2sf) =	vpush v11, $0xF;
	_ =	sdelay $0xe  }
0x76: {  	s23 =	spop (v2sf)  }
0x77: {  	p1 =	sgt.f32 s23, $0.0e+00  }
.Ltmp5:
0x78: {  	_ = 	snop;
	(pc) =	sbr.rel @!p1 .LBB2_6-.Ltmp5, $1  }
0x79: {  	_ =	sdelay $0x3  }
.LBB2_5:
0x7a: {  	[tilespmem:v9+s5+$0x0] =	vst.idx.msk vm2, v10  }
0x7b: {  	v11 =	vld.idx.msk [tilespmem:v9+s5+$0x0], $0xffff;
	_ =	sdelay $0x4  }
0x7c: {  	vm2 =	vlt.s32 v11, v10  }
0x7d: {  	vm2 =	vmand vm1, vm2  }
0x7e: {  	v11 =	vsel vm2, $0x3F800000, v4  }
0x7f: {  	(xrf0) =	vmax.scan.msk.f32 $0xffff, v11;
	_ =	sdelay $0x5  }
0x80: {  	v11, _, _ =	vpop (xrf0)  }
0x81: {  	(v2sf) =	vpush v11, $0xF;
	_ =	sdelay $0xe  }
0x82: {  	s4 =	spop (v2sf)  }
0x83: {  	p1 =	sgt.f32 s4, $0.0e+00  }
.Ltmp6:
0x84: {  	_ = 	snop;
	(pc) =	sbr.rel @p1 .LBB2_5-.Ltmp6, $1  }
0x85: {  	_ =	sdelay $0x3  }
.Ltmp7:
0x86: {  	_ = 	snop;
	(pc) =	sbr.rel .LBB2_6-.Ltmp7, $1  }
0x87: {  	_ =	sdelay $0x3  }
.LBB2_7:
0x88: {  	s1 =	simm.s32 $0x0;
	s0 =	rddreg [dreg:$0x5]  }
0x89: {  	[tilespmem:s1], [sflag:$0xD] =	stream.linear.gather [hbm4b:s0+s1], $0x4000, $0x38;
	[tilespmem:$0x19580] =	vst v63  }
0x8a: {  	_ =	swait.ge [sflag:s3], $0x4000  }
0x8b: {  	[sflag:s3] =	ssyncset.done $0x0  }
0x8c: {  	[sflag:s3] =	ssyncadd.s32 $0xFFFFC000  }
0x8d: {  	v9 =	vld [tilespmem:s1+$0x0];
	_ =	sdelay $0x4  }
0x8e: {  	v10 =	vsub.s32 v9, v0  }
0x8f: {  	vm1 =	vgt.s32 v10, $0x0  }
0x90: {  	v10 =	vnsel vm1, $0x0, v10  }
0x91: {  	v10 =	vmin.u32 v10, $0xC3F;
	_ =	sdelay $0x4  }
0x92: {  	v10 =	vld.idx.msk [tilespmem:v10+s5+$0x0], $0xffff;
	_ =	sdelay $0x2  }
0x93: {  	v11 =	vor.u32 s1, v3  }
0x94: {  	v12 =	vshll.u32 v11, $0x11;
	vm2 =	vlt.s32 v9, v1;
	vm1 =	vge.s32 v9, v0  }
0x95: {  	v11 =	vshll.u32 v11, $0xE;
	vm1 =	vmand vm1, vm2;
	vm2 =	vlt.s32 v10, $0x0  }
0x96: {  	v9 =	vor.u32 v12, v9;
	vm3 =	vgt.s32 v10, $0xFFFFFFFF;
	vm2 =	vmand vm1, vm2  }
0x97: {  	v10 =	vor.u32 v11, v10;
	vm1 =	vmand vm1, vm3;
	v11 =	vsel vm2, $0x1, v5  }
0x98: {  	[tilespmem:s1+$0x6580] =	vst.msk vm2, v9;
	v9 =	vsel vm1, $0x1, v5;
	(xrf0) =	vadd.scan.msk.s32 $0xffff, v11  }
0x99: {  	s4 =	simm.s32 $0x10;
	[tilespmem:s1+$0xA600] =	vst.msk vm1, v10;
	(xrf0) =	vadd.scan.msk.s32 $0xffff, v9  }
0x9a: {  	s8 =	simm.s32 $0x20;
	s6 =	simm.s32 $0x0;
	s13 =	simm.s32 $0x10;
	v9 =	vld [tilespmem:s4+$0x0]  }
.LBB2_8:
0x9b: {  	p1 =	sne.s32 s8, $0x3FF0;
	_ =	sdelay $0x1  }
0x9c: {  	v10 =	vor.u32 s4, v3;
	s4 =	smov.u32 s8  }
0x9d: {  	v11 =	vshll.u32 v10, $0x11;
	v12, _, _ =	vpop (xrf0)  }
0x9e: {  	v13 =	vsub.s32 v9, v0;
	v11 =	vor.u32 v11, v9;
	(v2sf) =	vpush v12, $0xF;
	v12, _, _ =	vpop (xrf0)  }
0x9f: {  	vm1 =	vgt.s32 v13, $0x0;
	(v2sf) =	vpush v12, $0xF  }
0xa0: {  	v12 =	vnsel vm1, $0x0, v13  }
0xa1: {  	v12 =	vmin.u32 v12, $0xC3F;
	_ =	sdelay $0x4  }
0xa2: {  	v12 =	vld.idx.msk [tilespmem:v12+s5+$0x0], $0xffff;
	_ =	sdelay $0x4  }
0xa3: {  	vm2 =	vlt.s32 v9, v1;
	vm1 =	vge.s32 v9, v0;
	v9 =	vshll.u32 v10, $0xE  }
0xa4: {  	vm1 =	vmand vm1, vm2;
	vm2 =	vgt.s32 v12, $0xFFFFFFFF;
	vm3 =	vlt.s32 v12, $0x0  }
.Ltmp8:
0xa5: {  	v9 =	vor.u32 v9, v12;
	vm2 =	vmand vm1, vm2;
	vm1 =	vmand vm1, vm3;
	s14 =	spop (v2sf);
	(pc) =	sbr.rel @p1 .LBB2_8-.Ltmp8, $4  }
0xa6: {  	v10 =	vsel vm1, $0x1, v5;
	v12 =	vsel vm2, $0x1, v5;
	s1 =	sadd.s32 s1, s14;
	s14 =	spop (v2sf)  }
0xa7: {  	[tilespmem:s1+$0x6580] =	vst.msk vm1, v11;
	(xrf0) =	vadd.scan.msk.s32 $0xffff, v10;
	s6 =	sadd.s32 s6, s14  }
0xa8: {  	s13 =	sadd.s32 $0x10, s13;
	[tilespmem:s6+$0xA600] =	vst.msk vm2, v9;
	(xrf0) =	vadd.scan.msk.s32 $0xffff, v12  }
0xa9: {  	s8 =	sadd.s32 $0x10, s8;
	v9 =	vld [tilespmem:s13+$0x0]  }
0xaa: {  	_ =	sdelay $0x3  }
0xab: {  	v10 =	vsub.s32 v9, v0  }
0xac: {  	vm1 =	vgt.s32 v10, $0x0  }
0xad: {  	v10 =	vnsel vm1, $0x0, v10  }
0xae: {  	v10 =	vmin.u32 v10, $0xC3F;
	_ =	sdelay $0x4  }
0xaf: {  	v10 =	vld.idx.msk [tilespmem:v10+s5+$0x0], $0xffff;
	_ =	sdelay $0x3  }
0xb0: {  	vm2 =	vlt.s32 v9, v1;
	vm1 =	vge.s32 v9, v0  }
0xb1: {  	vm1 =	vmand vm1, vm2;
	vm2 =	vlt.s32 v10, $0x0  }
0xb2: {  	vm2 =	vmand vm1, vm2  }
0xb3: {  	v11 =	vsel vm2, $0x1, v5  }
0xb4: {  	(xrf0) =	vadd.scan.msk.s32 $0xffff, v11  }
0xb5: {  	vm3 =	vgt.s32 v10, $0xFFFFFFFF  }
0xb6: {  	vm1 =	vmand vm1, vm3  }
0xb7: {  	v12 =	vsel vm1, $0x1, v5;
	v11, _, _ =	vpop (xrf0)  }
0xb8: {  	(v2sf) =	vpush v11, $0xF;
	v11, _, _ =	vpop (xrf0);
	(xrf0) =	vadd.scan.msk.s32 $0xffff, v12;
	_ =	sdelay $0x1  }
0xb9: {  	(v2sf) =	vpush v11, $0xF;
	v11, _, _ =	vpop (xrf0)  }
0xba: {  	(v2sf) =	vpush v11, $0xF;
	_ =	sdelay $0x2  }
0xbb: {  	v11, _, _ =	vpop (xrf0)  }
0xbc: {  	(v2sf) =	vpush v11, $0xF;
	_ =	sdelay $0x8  }
0xbd: {  	s8 =	spop (v2sf)  }
0xbe: {  	s13 =	spop (v2sf)  }
0xbf: {  	s1 =	sadd.s32 s1, s8;
	s22 =	spop (v2sf)  }
0xc0: {  	s21 =	simm.s32 $0x1;
	s10 =	rddreg [dreg:$0xf];
	s8 =	sadd.s32 s1, s22  }
0xc1: {  	s12 =	simm.s32 $0x12900;
	s17 =	simm.s32 $0x14900;
	v11 =	vor.u32 s4, v3;
	s14 =	sadd.s32 $0xF, s8  }
0xc2: {  	v63 =	vshll.u32 v11, $0x11;
	s6 =	sadd.s32 s6, s13;
	s23 =	sshra.s32 s14, $0x1F;
	s20 =	sand.u32 $0xF, s14  }
0xc3: {  	v11 =	vshll.u32 v11, $0xE;
	v9 =	vor.u32 v63, v9;
	p1 =	slt.s32 s14, $0x1;
	s0 =	spop (v2sf);
	s13 =	sshrl.u32 s23, $0x1C  }
0xc4: {  	v10 =	vor.u32 v11, v10;
	[tilespmem:s1+$0x6580] =	vst.msk vm2, v9;
	p2 =	sne.s32 s20, $0x0;
	s4 =	sadd.s32 s6, s0;
	s20 =	simm.s32 $0xFFFFFFFF  }
0xc5: {  	[tilespmem:s6+$0xA600] =	vst.msk vm1, v10;
	s0 =	rddreg [dreg:$0xe];
	s6 =	simm.s32 $0x1;
	s13 =	sadd.s32 s13, s14  }
0xc6: {  	p1 =	por !p1, !p2;
	s23 =	sadd.s32 $0xF, s4;
	s14 =	sshra.s32 s13, $0x4  }
0xc7: {  	p1 =	por !p1, !p1;
	s22 =	sand.u32 $0xF, s23;
	s3 =	sshra.s32 s23, $0x1F  }
0xc8: {  	p5 =	slt.s32 s23, $0x1;
	s20 =	simm.s32 @!p1 $0x0;
	p6 =	sne.s32 s22, $0x0  }
0xc9: {  	s1 =	sshrl.u32 s3, $0x1C;
	s22 =	simm.s32 $0x0;
	s3 =	simm.s32 $0x10900  }
0xca: {  	[tilespmem:s3], [sflag:$0x5] =	stream.linear.gather [hbm4b:s0+s22], $0x2000, $0x38;
	[tilespmem:$0x19580] =	vst v63  }
0xcb: {  	s21 =	simm.s32 @!p1 $0x0;
	p1 =	por !p5, !p6;
	s1 =	sadd.s32 s1, s23  }
0xcc: {  	s18 =	sand.u32 $0xFFFFFFF0, s13;
	p1 =	por !p1, !p1;
	s1 =	sshra.s32 s1, $0x4  }
0xcd: {  	[tilespmem:s12], [sflag:$0x6] =	stream.linear.gather [hbm4b:s10+s22], $0x2000, $0x38;
	[tilespmem:$0x19580] =	vst v63  }
0xce: {  	s10 =	ssub.s32 s14, s21;
	s6 =	simm.s32 @!p1 $0x0;
	s14 =	rddreg [dreg:$0x18]  }
0xcf: {  	s20 =	sshll.u32 s20, $0x4;
	s1 =	ssub.s32 s1, s6;
	[smem:$0x7FB] =	sst s10  }
0xd0: {  	[tilespmem:s17], [sflag:$0x7] =	stream.linear.gather [hbm4b:s14+s22], $0x2000, $0x38;
	[tilespmem:$0x19580] =	vst v63  }
0xd1: {  	s6 =	sadd.s32 s20, s18;
	s21 =	sadd.s32 s10, s1;
	s17 =	rddreg [dreg:$0x0]  }
0xd2: {  	s23 =	sshll.u32 s10, $0x6;
	s6 =	ssub.s32 $0x0, s6;
	[smem:$0x7FC] =	sst s21  }
0xd3: {  	s1 =	ssub.s32 $0x0, s23;
	p1 =	sgt.s32 s25, s21;
	[dreg:$0xc] =	wrdreg s6  }
0xd4: {  	s13 =	smov.u32 s21;
	s1 =	sshra.s32 s1, $0x2;
	s6 =	rddreg [dreg:$0x16]  }
0xd5: {  	s13 =	smov.u32 @p1 s25;
	s20 =	sadd.s32 $0xA600, s1;
	s1 =	rddreg [dreg:$0x17]  }
0xd6: {  	v9 =	vmov s8;
	s8 =	simm.s32 $0x4;
	[dreg:$0xd] =	wrdreg s13  }
0xd7: {  	v10 =	vmov s4;
	s4 =	simm.s32 $0x6580;
	s21 =	simm.s32 $0x0;
	s13 =	rddreg [dreg:$0x10]  }
.LBB2_10:
0xd8: {  	s14 =	sld [smem:$0x7FB];
	_ =	sdelay $0x2  }
0xd9: {  	p2 =	sge.s32 s21, s14  }
0xda: {  	v11 =	vmov @!p2 s22  }
0xdb: {  	p1 =	sge.u32 s21, s25;
	s18 =	rddreg [dreg:$0x15]  }
0xdc: {  	s0 =	sadd.s32 @!p1 s1, s18;
	s25 =	simm.s32 @!p1 $0x0;
	s3 =	simm.s32 @!p1 $0x16900  }
0xdd: {  	[tilespmem:s3], [sflag:$0x8] =	stream.linear.gather @!p1 [hbm4b:s0+s25], $0x2000, $0x38;
	[tilespmem:$0x19580] =	vst v63  }
0xde: {  	v12 =	vld @!p2 [tilespmem:s4+$0x0];
	s0 =	simm.s32 @!p2 $0x6580  }
0xdf: {  	v11 =	vld.idx.msk @!p2 [tilespmem:v11+s0+$0x0], $0xffff;
	_ =	sdelay $0x1  }
0xe0: {  	v13 =	vlaneseq.u32 @!p2  }
0xe1: {  	v14 =	vor.u32 @!p2 s22, v13  }
0xe2: {  	vm1 =	vlt.s32 @!p2 v14, v9  }
0xe3: {  	v11 =	vsel @!p2 vm1, v12, v11  }
0xe4: {  	v12 =	vshll.u32 @!p2 v11, $0x2  }
0xe5: {  	v14 =	vand.u32 @!p2 $0x7, v11;
	v12 =	vand.u32 @!p2 $0x7FFE0, v12  }
0xe6: {  	v15 =	vshrl.u32 @!p2 v13, $0x3;
	v12 =	vor.u32 @!p2 v14, v12;
	v14 =	vand.u32 @!p2 $0x7, v13  }
0xe7: {  	v15 =	vmul.u32 @!p2 $0x8, v15;
	v14 =	vperm.xlane @!p2 v12, v14;
	_ =	sdelay $0x1  }
0xe8: {  	v14 =	vadd.s32 @!p2 v15, v14  }
0xe9: {  	s10 =	sld [smem:$0x7FC]  }
0xea: {  	v16 =	vand.u32 @!p2 $0x1FFFF, v11;
	v13 =	vor.u32 @!p2 $0x8, v13  }
0xeb: {  	p3 =	sle.s32 s14, s21;
	v11 =	vshrl.u32 @!p2 v11, $0x11;
	[tilespmem:$0x10700] =	vst @!p2 v16;
	v12 =	vperm.xlane @!p2 v12, v13  }
0xec: {  	p4 =	slt.s32 s21, s10;
	s12 =	simm.s32 @!p2 $0xE680;
	s0 =	simm.s32 @!p2 $0x0;
	vm1 =	vmmov @!p2 $0xffff;
	[tilespmem:$0x10800] =	vst @!p2 v11  }
0xed: {  	v11 =	vadd.s32 @!p2 v15, v12;
	[tilespmem:s12], [sflag:$0x1] =	stream.indirect_vreg.gather @!p2 [hbm4b:s17+s0], $0x80, v14, vm1, $0xb8;
	[tilespmem:$0x19580] =	vst v63  }
0xee: {  	s3 =	rddreg [dreg:$0x19];
	p3 =	por !p3, !p4;
	s12 =	simm.s32 @!p2 $0xEE80  }
0xef: {  	[tilespmem:s12], [sflag:$0x1] =	stream.indirect_vreg.gather @!p2 [hbm4b:s3+s0], $0x80, v14, vm1, $0xb8;
	[tilespmem:$0x19580] =	vst v63  }
0xf0: {  	p3 =	por !p3, !p3;
	s12 =	rddreg [dreg:$0xc]  }
0xf1: {  	s23 =	simm.s32 @!p2 $0xF680;
	s12 =	sadd.s32 @p3 s22, s12  }
0xf2: {  	[tilespmem:s23], [sflag:$0x1] =	stream.indirect_vreg.gather @!p2 [hbm4b:s17+s0], $0x80, v11, vm1, $0xb8;
	[tilespmem:$0x19580] =	vst v63  }
0xf3: {  	s14 =	simm.s32 @!p2 $0x10680;
	s23 =	simm.s32 @!p2 $0xFE80;
	v12 =	vmov @p3 s12  }
0xf4: {  	[tilespmem:s23], [sflag:$0x1] =	stream.indirect_vreg.gather @!p2 [hbm4b:s3+s0], $0x80, v11, vm1, $0xb8;
	[tilespmem:$0x19580] =	vst v63  }
0xf5: {  	s0 =	simm.s32 @!p2 $0x10;
	s23 =	simm.s32 @!p2 $0x10700;
	s3 =	rddreg [dreg:$0x1]  }
0xf6: {  	[tilespmem:s14], [sflag:$0x3] =	stream.indirect.gather @!p2 [hbm4b:s3+s0], $0x1, s23, s0, $0xb8;
	[tilespmem:$0x19580] =	vst v63  }
0xf7: {  	s0 =	simm.s32 @p3 $0xA600;
	v11 =	vld @p3 [tilespmem:s20+$0x0]  }
0xf8: {  	v12 =	vld.idx.msk @p3 [tilespmem:v12+s0+$0x0], $0xffff;
	_ =	sdelay $0x1  }
0xf9: {  	v13 =	vlaneseq.u32 @p3  }
0xfa: {  	v14 =	vor.u32 @p3 s12, v13  }
0xfb: {  	vm1 =	vlt.s32 @p3 v14, v10  }
0xfc: {  	v11 =	vsel @p3 vm1, v11, v12  }
0xfd: {  	v12 =	vshll.u32 @p3 v11, $0x2  }
0xfe: {  	v14 =	vand.u32 @p3 $0x7, v11;
	v12 =	vand.u32 @p3 $0xFFE0, v12  }
0xff: {  	v15 =	vshrl.u32 @p3 v13, $0x3;
	v12 =	vor.u32 @p3 v14, v12;
	v14 =	vand.u32 @p3 $0x7, v13  }
0x100: {  	v15 =	vmul.u32 @p3 $0x8, v15;
	v14 =	vperm.xlane @p3 v12, v14;
	_ =	sdelay $0x1  }
0x101: {  	v14 =	vadd.s32 @p3 v15, v14  }
0x102: {  	v13 =	vor.u32 @p3 $0x8, v13  }
0x103: {  	v12 =	vperm.xlane @p3 v12, v13;
	v13 =	vand.u32 @p3 $0x3FFF, v11  }
0x104: {  	v11 =	vshrl.u32 @p3 v11, $0xE;
	[tilespmem:$0x10700] =	vst @p3 v13  }
0x105: {  	s12 =	simm.s32 @p3 $0xE680;
	s0 =	simm.s32 @p3 $0x0;
	vm1 =	vmmov @p3 $0xffff;
	[tilespmem:$0x10800] =	vst @p3 v11;
	v11 =	vadd.s32 @p3 v15, v12  }
0x106: {  	[tilespmem:s12], [sflag:$0x1] =	stream.indirect_vreg.gather @p3 [hbm4b:s2+s0], $0x80, v14, vm1, $0xb8;
	[tilespmem:$0x19580] =	vst v63  }
0x107: {  	s12 =	simm.s32 @p3 $0xEE80  }
0x108: {  	[tilespmem:s12], [sflag:$0x1] =	stream.indirect_vreg.gather @p3 [hbm4b:s26+s0], $0x80, v14, vm1, $0xb8;
	[tilespmem:$0x19580] =	vst v63  }
0x109: {  	s12 =	simm.s32 @p3 $0xF680  }
0x10a: {  	[tilespmem:s12], [sflag:$0x1] =	stream.indirect_vreg.gather @p3 [hbm4b:s2+s0], $0x80, v11, vm1, $0xb8;
	[tilespmem:$0x19580] =	vst v63  }
0x10b: {  	s14 =	simm.s32 @p3 $0x10680;
	s12 =	simm.s32 @p3 $0xFE80  }
0x10c: {  	[tilespmem:s12], [sflag:$0x1] =	stream.indirect_vreg.gather @p3 [hbm4b:s26+s0], $0x80, v11, vm1, $0xb8;
	[tilespmem:$0x19580] =	vst v63  }
0x10d: {  	s3 =	rddreg [dreg:$0x3];
	s0 =	simm.s32 @p3 $0x10;
	s12 =	simm.s32 @p3 $0x10700  }
0x10e: {  	[tilespmem:s14], [sflag:$0x3] =	stream.indirect.gather @p3 [hbm4b:s3+s0], $0x1, s12, s0, $0xb8;
	[tilespmem:$0x19580] =	vst v63  }
0x10f: {  	s0 =	simm.s32 @!p1 $0x5  }
0x110: {  	_ =	swait.ge @!p1 [sflag:s0], $0x2000  }
0x111: {  	s12 =	sshrl.u32 @!p1 s13, $0x3;
	[sflag:s0] =	ssyncset.done @!p1 $0x0  }
0x112: {  	[sflag:s0] =	ssyncadd.s32 @!p1 $0xFFFFE000;
	s0 =	sadd.s32 @!p1 s9, s12;
	s12 =	simm.s32 @!p1 $0x10900  }
0x113: {  	[hbm4b:s0+s25] =	stream.linear.scatter @!p1 [tilespmem:s12], [sflag:$0x9], $0x2000, $0x38;
	[tilespmem:$0x19580] =	vst v63  }
0x114: {  	s0 =	simm.s32 @!p1 $0x6  }
0x115: {  	_ =	swait.ge @!p1 [sflag:s0], $0x2000  }
0x116: {  	s12 =	sadd.s32 @!p1 s6, s18;
	[sflag:s0] =	ssyncset.done @!p1 $0x0  }
0x117: {  	s14 =	simm.s32 @!p1 $0x12900;
	[sflag:s0] =	ssyncadd.s32 @!p1 $0xFFFFE000;
	s0 =	sadd.s32 @!p1 $0x400, s12  }
0x118: {  	[hbm4b:s0+s25] =	stream.linear.scatter @!p1 [tilespmem:s14], [sflag:$0xA], $0x2000, $0x38;
	[tilespmem:$0x19580] =	vst v63  }
0x119: {  	s0 =	simm.s32 @!p1 $0x7  }
0x11a: {  	_ =	swait.ge @!p1 [sflag:s0], $0x2000  }
0x11b: {  	[sflag:s0] =	ssyncset.done @!p1 $0x0  }
0x11c: {  	s14 =	simm.s32 @!p1 $0x14900;
	[sflag:s0] =	ssyncadd.s32 @!p1 $0xFFFFE000;
	s0 =	sadd.s32 @!p1 $0x800, s12  }
0x11d: {  	[hbm4b:s0+s25] =	stream.linear.scatter @!p1 [tilespmem:s14], [sflag:$0xB], $0x2000, $0x38;
	[tilespmem:$0x19580] =	vst v63  }
0x11e: {  	s0 =	simm.s32 @!p1 $0x8  }
0x11f: {  	_ =	swait.ge @!p1 [sflag:s0], $0x2000  }
0x120: {  	p2 =	sge.s32 s21, s10;
	[sflag:s0] =	ssyncset.done @!p1 $0x0  }
0x121: {  	s3 =	simm.s32 @!p1 $0x16900;
	[sflag:s0] =	ssyncadd.s32 @!p1 $0xFFFFE000;
	s0 =	sadd.s32 @!p1 $0xC00, s12  }
0x122: {  	[hbm4b:s0+s25] =	stream.linear.scatter @!p1 [tilespmem:s3], [sflag:$0xC], $0x2000, $0x38;
	[tilespmem:$0x19580] =	vst v63  }
0x123: {  	s25 =	sld [smem:$0x7FD];
	s0 =	simm.s32 @!p2 $0x1  }
0x124: {  	s3 =	rddreg [dreg:$0x6];
	_ =	swait.ge @!p2 [sflag:s0], $0x2000  }
0x125: {  	[sflag:s0] =	ssyncset.done @!p2 $0x0  }
0x126: {  	[sflag:s0] =	ssyncadd.s32 @!p2 $0xFFFFE000  }
0x127: {  	v11 =	vld @!p2 [tilespmem:$0x10800];
	_ =	sdelay $0x4  }
0x128: {  	v12 =	vshll.u32 @!p2 v11, $0x2  }
0x129: {  	v13 =	vlaneseq.u32 @!p2;
	v11 =	vand.u32 @!p2 $0x7, v11;
	v12 =	vand.u32 @!p2 $0xFFFFFFE0, v12  }
0x12a: {  	v14 =	vshrl.u32 @!p2 v13, $0x3;
	v11 =	vor.u32 @!p2 v11, v12;
	v12 =	vand.u32 @!p2 $0x7, v13  }
0x12b: {  	v14 =	vmul.u32 @!p2 $0x8, v14;
	v12 =	vperm.xlane @!p2 v11, v12;
	_ =	sdelay $0x1  }
0x12c: {  	v12 =	vadd.s32 @!p2 v14, v12  }
0x12d: {  	v13 =	vor.u32 @!p2 $0x8, v13  }
0x12e: {  	v11 =	vperm.xlane @!p2 v11, v13;
	_ =	sdelay $0x1  }
0x12f: {  	vm1 =	vmmov @!p2 $0xffff;
	s12 =	simm.s32 @!p2 $0xE680;
	s0 =	simm.s32 @!p2 $0x0;
	v11 =	vadd.s32 @!p2 v14, v11  }
0x130: {  	[hbm4b:s3+s0] =	stream.indirect_vreg.scatter @!p2 [tilespmem:s12], [sflag:$0x2], $0x80, v12, vm1, $0xb8;
	[tilespmem:$0x19580] =	vst v63  }
0x131: {  	s10 =	rddreg [dreg:$0x1a];
	s12 =	simm.s32 @!p2 $0xEE80  }
0x132: {  	[hbm4b:s10+s0] =	stream.indirect_vreg.scatter @!p2 [tilespmem:s12], [sflag:$0x2], $0x80, v12, vm1, $0xb8;
	[tilespmem:$0x19580] =	vst v63  }
0x133: {  	s12 =	simm.s32 @!p2 $0xF680  }
0x134: {  	[hbm4b:s3+s0] =	stream.indirect_vreg.scatter @!p2 [tilespmem:s12], [sflag:$0x2], $0x80, v11, vm1, $0xb8;
	[tilespmem:$0x19580] =	vst v63  }
0x135: {  	s12 =	simm.s32 @!p2 $0xFE80  }
0x136: {  	[hbm4b:s10+s0] =	stream.indirect_vreg.scatter @!p2 [tilespmem:s12], [sflag:$0x2], $0x80, v11, vm1, $0xb8;
	[tilespmem:$0x19580] =	vst v63  }
0x137: {  	s0 =	simm.s32 @!p2 $0x3  }
0x138: {  	_ =	swait.ge @!p2 [sflag:s0], $0x10  }
0x139: {  	s23 =	simm.s32 @!p2 $0x10680;
	s14 =	simm.s32 @!p2 $0x10800;
	[sflag:s0] =	ssyncset.done @!p2 $0x0  }
0x13a: {  	s12 =	rddreg [dreg:$0xb];
	[sflag:s0] =	ssyncadd.s32 @!p2 $0xFFFFFFF0;
	s0 =	simm.s32 @!p2 $0x10  }
0x13b: {  	[hbm4b:s12+s0] =	stream.indirect.scatter @!p2 [tilespmem:s23], [sflag:$0x4], $0x1, s14, s0, $0xb8;
	[tilespmem:$0x19580] =	vst v63  }
0x13c: {  	s0 =	simm.s32 @!p2 $0x2  }
0x13d: {  	_ =	swait.ge @!p2 [sflag:s0], $0x2000  }
0x13e: {  	[sflag:s0] =	ssyncset.done @!p2 $0x0  }
0x13f: {  	[sflag:s0] =	ssyncadd.s32 @!p2 $0xFFFFE000;
	s0 =	simm.s32 @!p2 $0x4  }
0x140: {  	_ =	swait.ge @!p2 [sflag:s0], $0x10  }
0x141: {  	[sflag:s0] =	ssyncset.done @!p2 $0x0  }
0x142: {  	[sflag:s0] =	ssyncadd.s32 @!p2 $0xFFFFFFF0;
	s0 =	simm.s32 @!p1 $0x9;
	p2 =	sge.u32 @!p1 s8, s28  }
0x143: {  	_ =	swait.ge @!p1 [sflag:s0], $0x2000;
	p2 =	por p2, p1  }
0x144: {  	[sflag:s0] =	ssyncset.done @!p1 $0x0;
	s12 =	sadd.s32 @!p2 $0x8000, s13  }
0x145: {  	[sflag:s0] =	ssyncadd.s32 @!p1 $0xFFFFE000;
	s0 =	sshrl.u32 @!p2 s12, $0x3  }
0x146: {  	s14 =	simm.s32 @!p2 $0x10900;
	s12 =	simm.s32 @!p2 $0x0;
	s0 =	sadd.s32 @!p2 s17, s0  }
0x147: {  	[tilespmem:s14], [sflag:$0x5] =	stream.linear.gather @!p2 [hbm4b:s0+s12], $0x2000, $0x38;
	[tilespmem:$0x19580] =	vst v63  }
0x148: {  	s0 =	sadd.s32 @!p1 $0x1, s8  }
0x149: {  	s12 =	simm.s32 @!p1 $0xA;
	p2 =	sge.u32 @!p1 s0, s28  }
0x14a: {  	_ =	swait.ge @!p1 [sflag:s12], $0x2000;
	p2 =	por p2, p1  }
0x14b: {  	[sflag:s12] =	ssyncset.done @!p1 $0x0;
	s0 =	sadd.s32 @!p2 $0xA000, s13  }
0x14c: {  	[sflag:s12] =	ssyncadd.s32 @!p1 $0xFFFFE000;
	s0 =	sshrl.u32 @!p2 s0, $0x3  }
0x14d: {  	s12 =	simm.s32 @!p2 $0x0;
	s14 =	simm.s32 @!p2 $0x12900;
	s0 =	sadd.s32 @!p2 s17, s0  }
0x14e: {  	[tilespmem:s14], [sflag:$0x6] =	stream.linear.gather @!p2 [hbm4b:s0+s12], $0x2000, $0x38;
	[tilespmem:$0x19580] =	vst v63  }
0x14f: {  	s0 =	sadd.s32 @!p1 $0x2, s8  }
0x150: {  	s12 =	simm.s32 @!p1 $0xB;
	p2 =	sge.u32 @!p1 s0, s28  }
0x151: {  	_ =	swait.ge @!p1 [sflag:s12], $0x2000;
	p2 =	por p2, p1  }
0x152: {  	[sflag:s12] =	ssyncset.done @!p1 $0x0;
	s0 =	sadd.s32 @!p2 $0xC000, s13  }
0x153: {  	[sflag:s12] =	ssyncadd.s32 @!p1 $0xFFFFE000;
	s0 =	sshrl.u32 @!p2 s0, $0x3  }
0x154: {  	s12 =	simm.s32 @!p2 $0x0;
	s14 =	simm.s32 @!p2 $0x14900;
	s0 =	sadd.s32 @!p2 s17, s0  }
0x155: {  	[tilespmem:s14], [sflag:$0x7] =	stream.linear.gather @!p2 [hbm4b:s0+s12], $0x2000, $0x38;
	[tilespmem:$0x19580] =	vst v63  }
0x156: {  	s0 =	simm.s32 @!p1 $0xC  }
0x157: {  	_ =	swait.ge @!p1 [sflag:s0], $0x2000  }
0x158: {  	s21 =	sadd.s32 $0x1, s21;
	s23 =	rddreg [dreg:$0xd];
	[sflag:s0] =	ssyncset.done @!p1 $0x0  }
0x159: {  	[sflag:s0] =	ssyncadd.s32 @!p1 $0xFFFFE000;
	p1 =	sne.s32 s23, s21  }
.Ltmp9:
0x15a: {  	_ = 	snop;
	(pc) =	sbr.rel @p1 .LBB2_10-.Ltmp9, $4  }
0x15b: {  	_ = 	snop  }
0x15c: {  	s1 =	sadd.s32 $0x1000, s1  }
0x15d: {  	s4 =	sadd.s32 $0x10, s4;
	s22 =	sadd.s32 $0x10, s22;
	s20 =	sadd.s32 $0x10, s20  }
0x15e: {  	s6 =	sadd.s32 $0x1000, s6;
	s8 =	sadd.s32 $0x4, s8;
	s13 =	sadd.s32 $0x8000, s13  }
0x15f: {  	s0 =	simm.s32 @p0 $0x5  }
0x160: {  	_ =	swait.ge @p0 [sflag:s0], $0x2000  }
0x161: {  	s1 =	simm.s32 @p0 $0x10900;
	[sflag:s0] =	ssyncset.done @p0 $0x0  }
0x162: {  	s3 =	rddreg [dreg:$0x1b];
	[sflag:s0] =	ssyncadd.s32 @p0 $0xFFFFE000;
	s0 =	simm.s32 @p0 $0x0  }
0x163: {  	[hbm4b:s3+s0] =	stream.linear.scatter @p0 [tilespmem:s1], [sflag:$0x9], $0x2000, $0x38;
	[tilespmem:$0x19580] =	vst v63  }
0x164: {  	s1 =	simm.s32 @p0 $0x6  }
0x165: {  	_ =	swait.ge @p0 [sflag:s1], $0x2000  }
0x166: {  	[sflag:s1] =	ssyncset.done @p0 $0x0  }
0x167: {  	s3 =	rddreg [dreg:$0x1c];
	[sflag:s1] =	ssyncadd.s32 @p0 $0xFFFFE000;
	s1 =	simm.s32 @p0 $0x12900  }
0x168: {  	[hbm4b:s3+s0] =	stream.linear.scatter @p0 [tilespmem:s1], [sflag:$0xA], $0x2000, $0x38;
	[tilespmem:$0x19580] =	vst v63  }
0x169: {  	s1 =	simm.s32 @p0 $0x9  }
0x16a: {  	_ =	swait.ge @p0 [sflag:s1], $0x2000  }
0x16b: {  	[sflag:s1] =	ssyncset.done @p0 $0x0  }
0x16c: {  	[sflag:s1] =	ssyncadd.s32 @p0 $0xFFFFE000;
	s1 =	simm.s32 @p0 $0xA  }
0x16d: {  	_ =	swait.ge @p0 [sflag:s1], $0x2000  }
0x16e: {  	s4 =	simm.s32 @p0 $0xD;
	[sflag:s1] =	ssyncset.done @p0 $0x0  }
0x16f: {  	s3 =	rddreg [dreg:$0x1d];
	[sflag:s1] =	ssyncadd.s32 @p0 $0xFFFFE000;
	s1 =	simm.s32 @p0 $0x18900  }
0x170: {  	[tilespmem:s1], [sflag:$0xD] =	stream.linear.gather @p0 [hbm4b:s3+s0], $0xAE0, $0x38;
	[tilespmem:$0x19580] =	vst v63  }
0x171: {  	_ =	swait.ge @p0 [sflag:s4], $0xAE0  }
0x172: {  	[sflag:s4] =	ssyncset.done @p0 $0x0  }
0x173: {  	s3 =	rddreg [dreg:$0x1e];
	[sflag:s4] =	ssyncadd.s32 @p0 $0xFFFFF520  }
0x174: {  	[hbm4b:s3+s0] =	stream.linear.scatter @p0 [tilespmem:s1], [sflag:$0xD], $0xAE0, $0x38;
	[tilespmem:$0x19580] =	vst v63  }
0x175: {  	_ =	swait.ge @p0 [sflag:s4], $0xAE0  }
0x176: {  	s0 =	simm.s32 @!p0 $0x0;
	s1 =	simm.s32 @!p0 $0x18900;
	[sflag:s4] =	ssyncset.done @p0 $0x0  }
0x177: {  	s3 =	rddreg [dreg:$0x11];
	[sflag:s4] =	ssyncadd.s32 @p0 $0xFFFFF520;
	s4 =	simm.s32 @!p0 $0xD  }
0x178: {  	[tilespmem:s1], [sflag:$0xD] =	stream.linear.gather @!p0 [hbm4b:s3+s0], $0xC40, $0x38;
	[tilespmem:$0x19580] =	vst v63  }
0x179: {  	_ =	swait.ge @!p0 [sflag:s4], $0xC40  }
0x17a: {  	[sflag:s4] =	ssyncset.done @!p0 $0x0  }
0x17b: {  	p2 =	sne.s32 s28, $0x1;
	s3 =	rddreg [dreg:$0x12];
	[sflag:s4] =	ssyncadd.s32 @!p0 $0xFFFFF3C0  }
0x17c: {  	[hbm4b:s3+s0] =	stream.linear.scatter @!p0 [tilespmem:s1], [sflag:$0xD], $0xC40, $0x38;
	[tilespmem:$0x19580] =	vst v63  }
.Ltmp10:
0x17d: {  	_ = 	snop;
	(pc) =	sbr.rel @!p2 .LBB2_12-.Ltmp10, $4  }
0x17e: {  	_ =	swait.ge @!p0 [sflag:s4], $0xC40  }
0x17f: {  	[sflag:s4] =	ssyncset.done @!p0 $0x0  }
0x180: {  	s23 =	simm.s32 $0x4000;
	[sflag:s4] =	ssyncadd.s32 @!p0 $0xFFFFF3C0  }
0x181: {  	p1 =	por $0x0, $0x0;
	s1 =	simm.s32 $0x0;
	s4 =	sadd.s32 $0xFFFFFFFF, s28;
	v9 =	vld [tilespmem:s23+$0x0]  }
0x182: {  	_ =	sdelay $0x3  }
0x183: {  	vm1 =	vgt.s32 v9, $0xFFFFFFFF  }
0x184: {  	v10 =	vsel vm1, $0x1, v5  }
0x185: {  	(xrf0) =	vadd.scan.msk.s32 $0xffff, v10;
	_ =	sdelay $0x1  }
0x186: {  	s20 =	rddreg [dreg:$0x14]  }
0x187: {  	v10 =	vor.u32 s20, v3;
	_ =	sdelay $0x1  }
0x188: {  	p2 =	sne.s32 s4, $0x1  }
.Ltmp11:
0x189: {  	[tilespmem:s1+$0x4C80] =	vst.msk vm1, v10;
	v10, _, _ =	vpop (xrf0);
	(pc) =	sbr.rel @!p2 .LBB2_14-.Ltmp11, $4  }
0x18a: {  	(v2sf) =	vpush v10, $0xF  }
0x18b: {  	s8 =	simm.s32 $0x4010;
	s13 =	sadd.s32 $0xFFFFFFFF, s4  }
0x18c: {  	p1 =	por $0x1, $0x1;
	s6 =	simm.s32 $0x0;
	s3 =	rddreg [dreg:$0x3];
	[tilespmem:s1+$0x5900] =	vst.msk vm1, v9  }
0x18d: {  	s10 =	rddreg [dreg:$0x9];
	s23 =	simm.s32 $0x4C80;
	s4 =	smov.u32 s20;
	v9 =	vld [tilespmem:s8+$0x0]  }
.LBB2_15:
0x18e: {  	p2 =	sne.s32 s13, $0x1;
	_ =	sdelay $0x3  }
0x18f: {  	vm1 =	vgt.s32 v9, $0xFFFFFFFF  }
0x190: {  	v10 =	vsel vm1, $0x1, v5  }
0x191: {  	(xrf0) =	vadd.scan.msk.s32 $0xffff, v10;
	_ =	sdelay $0x4  }
0x192: {  	s4 =	sadd.s32 $0x10, s4;
	s0 =	spop (v2sf)  }
.Ltmp12:
0x193: {  	v10 =	vor.u32 s4, v3;
	v11, _, _ =	vpop (xrf0);
	s6 =	sadd.s32 s6, s0;
	(pc) =	sbr.rel @p2 .LBB2_15-.Ltmp12, $4  }
0x194: {  	[tilespmem:s6+$0x4C80] =	vst.msk vm1, v10;
	(v2sf) =	vpush v11, $0xF  }
0x195: {  	[tilespmem:s6+$0x5900] =	vst.msk vm1, v9  }
0x196: {  	s8 =	sadd.s32 $0x10, s8  }
0x197: {  	s13 =	sadd.s32 $0xFFFFFFFF, s13;
	v9 =	vld [tilespmem:s8+$0x0]  }
.LBB2_16:
0x198: {  	_ =	sdelay $0x3  }
0x199: {  	vm1 =	vgt.s32 v9, $0xFFFFFFFF  }
0x19a: {  	v10 =	vsel vm1, $0x1, v5  }
0x19b: {  	(xrf0) =	vadd.scan.msk.s32 $0xffff, v10;
	_ =	sdelay $0x5  }
0x19c: {  	v10, _, _ =	vpop (xrf0)  }
0x19d: {  	(v2sf) =	vpush v10, $0xF;
	_ =	sdelay $0xc  }
0x19e: {  	s0 =	spop @p1 (v2sf)  }
0x19f: {  	s0 =	sadd.s32 @p1 s6, s0  }
0x1a0: {  	s1 =	smov.u32 @p1 s0;
	s18 =	spop (v2sf)  }
0x1a1: {  	s8 =	sadd.s32 s1, s18  }
0x1a2: {  	s0 =	sadd.s32 $0xF, s8  }
0x1a3: {  	s21 =	sand.u32 $0xF, s0  }
0x1a4: {  	s12 =	sshra.s32 s0, $0x1F;
	p2 =	slt.s32 s0, $0x1;
	p3 =	sne.s32 s21, $0x0  }
0x1a5: {  	s22 =	sshrl.u32 s12, $0x1C;
	p2 =	por !p2, !p3  }
0x1a6: {  	s6 =	simm.s32 $0x1;
	s0 =	sadd.s32 s22, s0;
	p2 =	por !p2, !p2  }
0x1a7: {  	s0 =	sshra.s32 s0, $0x4;
	s6 =	simm.s32 @!p2 $0x0  }
0x1a8: {  	s4 =	sadd.s32 @p1 $0x10, s4;
	s12 =	smov.u32 s20;
	s13 =	ssub.s32 s0, s6  }
0x1a9: {  	s12 =	smov.u32 @p1 s4;
	p1 =	slt.s32 s13, $0x1  }
.Ltmp13:
0x1aa: {  	_ = 	snop;
	(pc) =	sbr.rel @p1 .LBB2_23-.Ltmp13, $4  }
0x1ab: {  	_ = 	snop  }
0x1ac: {  	v10 =	vor.u32 s12, v3  }
0x1ad: {  	[tilespmem:s1+$0x4C80] =	vst.msk vm1, v10  }
0x1ae: {  	s12 =	simm.s32 $0x5900;
	[tilespmem:s1+$0x5900] =	vst.msk vm1, v9;
	s1 =	rddreg [dreg:$0x1f]  }
0x1af: {  	p2 =	sne.s32 s13, $0x1  }
.Ltmp14:
0x1b0: {  	_ = 	snop;
	(pc) =	sbr.rel @!p2 .LBB2_18-.Ltmp14, $3  }
0x1b1: {  	_ =	sdelay $0x1  }
0x1b2: {  	s1 =	simm.s32 $0x4C80;
	s6 =	simm.s32 $0x0  }
0x1b3: {  	v9 =	vmov s8;
	s4 =	simm.s32 $0x5900;
	s8 =	sadd.s32 $0xFFFFFFFF, s13;
	p1 =	por $0x0, $0x0;
	v10 =	vmov s6  }
0x1b4: {  	_ =	sdelay $0x3  }
0x1b5: {  	v11 =	vld.idx.msk [tilespmem:v10+s12+$0x0], $0xffff  }
0x1b6: {  	v12 =	vld [tilespmem:s4+$0x0];
	_ =	sdelay $0x2  }
0x1b7: {  	v13 =	vor.u32 s6, v3  }
0x1b8: {  	vm1 =	vlt.s32 v13, v9  }
0x1b9: {  	v11 =	vsel vm1, v12, v11  }
0x1ba: {  	v12 =	vshll.u32 v11, $0x2  }
0x1bb: {  	v61 =	vand.u32 $0x7, v11;
	v12 =	vand.u32 $0xFFFFFFE0, v12  }
0x1bc: {  	v12 =	vor.u32 v61, v12  }
0x1bd: {  	v10 =	vld.idx.msk [tilespmem:v10+s23+$0x0], $0xffff;
	v13 =	vperm.xlane v12, v6  }
0x1be: {  	v14 =	vld [tilespmem:s1+$0x0]  }
0x1bf: {  	v13 =	vadd.s32 v7, v13;
	_ =	sdelay $0x1  }
0x1c0: {  	v12 =	vperm.xlane v12, v8;
	_ =	sdelay $0x1  }
0x1c1: {  	v10 =	vsel vm1, v14, v10;
	v12 =	vadd.s32 v7, v12  }
0x1c2: {  	v14 =	vshll.u32 v10, $0x2;
	[tilespmem:s19], [sflag:$0x1] =	stream.indirect_vreg.gather [hbm4b:s2+s11], $0x80, v13, vm0, $0xb8;
	[tilespmem:$0x19580] =	vst v63  }
0x1c3: {  	v15 =	vand.u32 $0x7, v10;
	v14 =	vand.u32 $0xFFFFFFE0, v14  }
0x1c4: {  	v62 =	vor.u32 v15, v14;
	[tilespmem:s24], [sflag:$0x1] =	stream.indirect_vreg.gather [hbm4b:s26+s11], $0x80, v13, vm0, $0xb8;
	[tilespmem:$0x19580] =	vst v63  }
0x1c5: {  	v14 =	vperm.xlane v62, v6  }
0x1c6: {  	[tilespmem:s16], [sflag:$0x1] =	stream.indirect_vreg.gather [hbm4b:s2+s11], $0x80, v12, vm0, $0xb8;
	[tilespmem:$0x19580] =	vst v63  }
0x1c7: {  	v14 =	vadd.s32 v7, v14  }
0x1c8: {  	[tilespmem:s29], [sflag:$0x1] =	stream.indirect_vreg.gather [hbm4b:s26+s11], $0x80, v12, vm0, $0xb8;
	[tilespmem:$0x19580] =	vst v63  }
0x1c9: {  	v63 =	vperm.xlane v62, v8;
	_ =	swait.ge [sflag:s15], $0x2000  }
0x1ca: {  	[sflag:s15] =	ssyncset.done $0x0  }
0x1cb: {  	v12 =	vadd.s32 v7, v63;
	[sflag:s15] =	ssyncadd.s32 $0xFFFFE000  }
0x1cc: {  	[hbm4b:s9+s11] =	stream.indirect_vreg.scatter [tilespmem:s19], [sflag:$0x2], $0x80, v14, vm0, $0xb8;
	[tilespmem:$0x19580] =	vst v63  }
0x1cd: {  	_ = 	snop  }
0x1ce: {  	[hbm4b:s7+s11] =	stream.indirect_vreg.scatter [tilespmem:s24], [sflag:$0x2], $0x80, v14, vm0, $0xb8;
	[tilespmem:$0x19580] =	vst v63  }
0x1cf: {  	_ = 	snop  }
0x1d0: {  	[hbm4b:s9+s11] =	stream.indirect_vreg.scatter [tilespmem:s16], [sflag:$0x2], $0x80, v12, vm0, $0xb8;
	[tilespmem:$0x19580] =	vst v63  }
0x1d1: {  	_ = 	snop  }
0x1d2: {  	[hbm4b:s7+s11] =	stream.indirect_vreg.scatter [tilespmem:s29], [sflag:$0x2], $0x80, v12, vm0, $0xb8;
	[tilespmem:$0x19580] =	vst v63  }
0x1d3: {  	_ =	swait.ge [sflag:s30], $0x2000  }
0x1d4: {  	[sflag:s30] =	ssyncset.done $0x0  }
0x1d5: {  	[sflag:s30] =	ssyncadd.s32 $0xFFFFE000  }
0x1d6: {  	[tilespmem:s31], [sflag:$0x1] =	stream.indirect_vreg.gather [hbm4b:s3+s11], $0x1, v11, vm0, $0xb8;
	[tilespmem:$0x19580] =	vst v63  }
0x1d7: {  	_ =	swait.ge [sflag:s15], $0x10  }
0x1d8: {  	p2 =	sne.s32 s8, $0x1;
	[sflag:s15] =	ssyncset.done $0x0  }
.Ltmp15:
0x1d9: {  	s6 =	simm.s32 $0x10;
	[sflag:s15] =	ssyncadd.s32 $0xFFFFFFF0;
	(pc) =	sbr.rel @!p2 .LBB2_20-.Ltmp15, $4  }
0x1da: {  	[hbm4b:s10+s11] =	stream.indirect_vreg.scatter [tilespmem:s31], [sflag:$0x2], $0x1, v10, vm0, $0xb8;
	v10 =	vmov s6;
	[tilespmem:$0x19580] =	vst v63  }
0x1db: {  	_ = 	snop  }
0x1dc: {  	s14 =	sadd.s32 $0xFFFFFFFF, s8;
	p1 =	por $0x1, $0x1;
	_ =	swait.ge [sflag:s30], $0x10  }
0x1dd: {  	s8 =	simm.s32 $0x4C80;
	s13 =	simm.s32 $0x5900;
	[sflag:s30] =	ssyncset.done $0x0  }
.LBB2_21:
0x1de: {  	[sflag:s30] =	ssyncadd.s32 $0xFFFFFFF0;
	s8 =	sadd.s32 $0x10, s8;
	s13 =	sadd.s32 $0x10, s13  }
0x1df: {  	p2 =	sne.s32 s14, $0x1;
	s14 =	sadd.s32 $0xFFFFFFFF, s14;
	v11 =	vld.idx.msk [tilespmem:v10+s12+$0x0], $0xffff  }
0x1e0: {  	v12 =	vld [tilespmem:s13+$0x0];
	_ =	sdelay $0x2  }
0x1e1: {  	v13 =	vor.u32 s6, v3  }
0x1e2: {  	vm1 =	vlt.s32 v13, v9  }
0x1e3: {  	v11 =	vsel vm1, v12, v11  }
0x1e4: {  	v12 =	vshll.u32 v11, $0x2  }
0x1e5: {  	v13 =	vand.u32 $0x7, v11;
	v12 =	vand.u32 $0xFFFFFFE0, v12  }
0x1e6: {  	v12 =	vor.u32 v13, v12  }
0x1e7: {  	v10 =	vld.idx.msk [tilespmem:v10+s23+$0x0], $0xffff;
	v13 =	vperm.xlane v12, v6;
	v12 =	vperm.xlane v12, v8  }
0x1e8: {  	v14 =	vld [tilespmem:s8+$0x0]  }
0x1e9: {  	v13 =	vadd.s32 v7, v13;
	_ =	sdelay $0x3  }
0x1ea: {  	v14 =	vsel vm1, v14, v10;
	v10 =	vadd.s32 v7, v12  }
0x1eb: {  	[tilespmem:s19], [sflag:$0x1] =	stream.indirect_vreg.gather [hbm4b:s2+s11], $0x80, v13, vm0, $0xb8;
	v12 =	vshll.u32 v14, $0x2;
	[tilespmem:$0x19580] =	vst v63  }
0x1ec: {  	v15 =	vand.u32 $0x7, v14;
	v12 =	vand.u32 $0xFFFFFFE0, v12  }
0x1ed: {  	[tilespmem:s24], [sflag:$0x1] =	stream.indirect_vreg.gather [hbm4b:s26+s11], $0x80, v13, vm0, $0xb8;
	v12 =	vor.u32 v15, v12;
	[tilespmem:$0x19580] =	vst v63  }
0x1ee: {  	v13 =	vperm.xlane v12, v6;
	v12 =	vperm.xlane v12, v8  }
0x1ef: {  	[tilespmem:s16], [sflag:$0x1] =	stream.indirect_vreg.gather [hbm4b:s2+s11], $0x80, v10, vm0, $0xb8;
	[tilespmem:$0x19580] =	vst v63  }
0x1f0: {  	v13 =	vadd.s32 v7, v13  }
0x1f1: {  	[tilespmem:s29], [sflag:$0x1] =	stream.indirect_vreg.gather [hbm4b:s26+s11], $0x80, v10, vm0, $0xb8;
	[tilespmem:$0x19580] =	vst v63  }
0x1f2: {  	_ =	swait.ge [sflag:s15], $0x2000  }
0x1f3: {  	[sflag:s15] =	ssyncset.done $0x0  }
0x1f4: {  	v10 =	vadd.s32 v7, v12;
	[sflag:s15] =	ssyncadd.s32 $0xFFFFE000  }
0x1f5: {  	[hbm4b:s9+s11] =	stream.indirect_vreg.scatter [tilespmem:s19], [sflag:$0x2], $0x80, v13, vm0, $0xb8;
	[tilespmem:$0x19580] =	vst v63  }
0x1f6: {  	_ = 	snop  }
0x1f7: {  	[hbm4b:s7+s11] =	stream.indirect_vreg.scatter [tilespmem:s24], [sflag:$0x2], $0x80, v13, vm0, $0xb8;
	[tilespmem:$0x19580] =	vst v63  }
0x1f8: {  	_ = 	snop  }
0x1f9: {  	[hbm4b:s9+s11] =	stream.indirect_vreg.scatter [tilespmem:s16], [sflag:$0x2], $0x80, v10, vm0, $0xb8;
	[tilespmem:$0x19580] =	vst v63  }
0x1fa: {  	_ = 	snop  }
0x1fb: {  	[hbm4b:s7+s11] =	stream.indirect_vreg.scatter [tilespmem:s29], [sflag:$0x2], $0x80, v10, vm0, $0xb8;
	[tilespmem:$0x19580] =	vst v63  }
0x1fc: {  	_ =	swait.ge [sflag:s30], $0x2000  }
0x1fd: {  	[sflag:s30] =	ssyncset.done $0x0  }
0x1fe: {  	[sflag:s30] =	ssyncadd.s32 $0xFFFFE000  }
0x1ff: {  	[tilespmem:s31], [sflag:$0x1] =	stream.indirect_vreg.gather [hbm4b:s3+s11], $0x1, v11, vm0, $0xb8;
	[tilespmem:$0x19580] =	vst v63  }
0x200: {  	_ =	swait.ge [sflag:s15], $0x10  }
.Ltmp16:
0x201: {  	s6 =	sadd.s32 $0x10, s6;
	[sflag:s15] =	ssyncset.done $0x0;
	(pc) =	sbr.rel @p2 .LBB2_21-.Ltmp16, $4  }
0x202: {  	v10 =	vmov s6;
	[sflag:s15] =	ssyncadd.s32 $0xFFFFFFF0  }
0x203: {  	[hbm4b:s10+s11] =	stream.indirect_vreg.scatter [tilespmem:s31], [sflag:$0x2], $0x1, v14, vm0, $0xb8;
	[tilespmem:$0x19580] =	vst v63  }
0x204: {  	_ =	swait.ge [sflag:s30], $0x10  }
0x205: {  	[sflag:s30] =	ssyncset.done $0x0  }
.Ltmp17:
0x206: {  	_ = 	snop;
	(pc) =	sbr.rel .LBB2_22-.Ltmp17, $1  }
0x207: {  	_ =	sdelay $0x3  }
.LBB2_12:
.Ltmp18:
0x208: {  	(pc) =	sbr.rel .LBB2_16-.Ltmp18, $4  }
0x209: {  	_ = 	snop  }
0x20a: {  	s20 =	rddreg [dreg:$0x14]  }
0x20b: {  	s6 =	simm.s32 $0x0;
	s3 =	rddreg [dreg:$0x3]  }
0x20c: {  	s10 =	rddreg [dreg:$0x9];
	s23 =	simm.s32 $0x4C80;
	s4 =	smov.u32 s20  }
.LBB2_14:
.Ltmp19:
0x20d: {  	(pc) =	sbr.rel .LBB2_16-.Ltmp19, $2  }
0x20e: {  	_ =	sdelay $0x2  }
0x20f: {  	s4 =	smov.u32 s20;
	s6 =	simm.s32 $0x0  }
.LBB2_20:
.Ltmp20:
0x210: {  	(pc) =	sbr.rel .LBB2_22-.Ltmp20, $2  }
0x211: {  	_ =	sdelay $0x2  }
0x212: {  	s8 =	simm.s32 $0x4C80;
	s13 =	simm.s32 $0x5900  }
.LBB2_24:
0x213: {  	_ =	sfence.sel $0x180000  }
0x214: {  	[bflag:$0x0] =	sbarrier.arrive $0xFFFF  }
0x215: {  	_ =	strace $0x90000047  }
0x216: {  	s0 =	stileid.u32;
	[bflag:$0x2] =	sbarrier.arrive $0xFFFF  }
0x217: {  	p0 =	sne.s32 s0, $0x0;
	s0 =	rddreg [dreg:$0xa]  }
0x218: {  	s0 =	sadd.s32 @!p0 $0x100000, s0  }
0x219: {  	[sflag:s0] =	ssyncadd.tile.s32 @!p0 $0x1;
	_ =	shalt  }
.Lfunc_end2:
_tile_overlayer_lowered:
.L_overlay_start_2:
0x21a: {  	(tag) =	ssettag $0x2  }
0x21b: {  	s0 =	rddreg [dreg:$0x0];
	s2 =	stileid.u32  }
0x21c: {  	s1 =	rddreg [dreg:$0x1];
	p0 =	sne.s32 s2, $0x0  }
0x21d: {  	s3 =	rddreg [dreg:$0x2];
	[bflag:$0x3] =	sbarrier.arrive $0xFFFF;
	s2 =	simm.s32 @!p0 $0x1C0D  }
0x21e: {  	[timem:s3], [sflag:s2] =	dma.local @!p0 [hbm:s0], s1  }
0x21f: {  	s0 =	simm.s32 @!p0 $0xD  }
0x220: {  	_ =	swait.ge @!p0 [sflag:s0], s1  }
0x221: {  	s1 =	ssub.s32 @!p0 $0x0, s1;
	[sflag:s0] =	ssyncset.done @!p0 $0x0  }
0x222: {  	[sflag:s0] =	ssyncadd.s32 @!p0 s1  }
0x223: {  	[bflag:$0x3] =	sbarrier.arrive $0xFFFF  }
0x224: {  	_ =	shalt  }

</sc_bundles>
